<compile_context>
chip_gen: v7x
topology: tpu7x:2x2x1
jax: 0.10.2.dev20260603
libtpu: 0.0.44.dev20260713+nightly
codegen_flags: <defaults>
</compile_context>

<pallas_src>
import functools

import jax
import jax.numpy as jnp
from jax import lax
from jax.experimental import pallas as pl
from jax.experimental.pallas import tpu as pltpu
from jax.experimental.pallas import tpu_sc as plsc

NC, NS = 2, 16
NW = NC * NS
_F32 = jnp.float32
_HI = lax.Precision.HIGHEST


def _gather_body(x_hbm, ii_hbm, jj_hbm, xi_hbm, xj_hbm,
                 iv, jv, ri, rj, s1, s2, *, epw, chunk):
    c = lax.axis_index("c")
    s = lax.axis_index("s")
    wid = s * NC + c

    def body(k, carry):
        base = wid * epw + k * chunk
        a = pltpu.async_copy(ii_hbm.at[pl.ds(base, chunk)], iv, s1)
        b = pltpu.async_copy(jj_hbm.at[pl.ds(base, chunk)], jv, s2)
        a.wait()
        b.wait()
        g1 = pltpu.async_copy(x_hbm.at[iv], ri, s1)
        g2 = pltpu.async_copy(x_hbm.at[jv], rj, s2)
        g1.wait()
        g2.wait()
        w1 = pltpu.async_copy(ri, xi_hbm.at[pl.ds(base, chunk)], s1)
        w2 = pltpu.async_copy(rj, xj_hbm.at[pl.ds(base, chunk)], s2)
        w1.wait()
        w2.wait()
        return carry

    lax.fori_loop(0, epw // chunk, body, 0)


def _scatter_body(z_hbm, mA_hbm, mB_hbm, iA_hbm, iB_hbm, out_hbm,
                  iv, mv, acc, *, n, hid, eh, chunk):
    c = lax.axis_index("c")
    s = lax.axis_index("s")
    wid = s * NC + c
    stripe = n // NS

    pltpu.sync_copy(z_hbm.at[pl.ds(s * stripe, stripe)],
                    acc.at[pl.ds(s * stripe, stripe)])
    plsc.subcore_barrier()

    def run(m_hbm, i_hbm):
        def body(k, carry):
            base = wid * eh + k * chunk
            pltpu.sync_copy(i_hbm.at[pl.ds(base, chunk)], iv)
            pltpu.sync_copy(m_hbm.at[pl.ds(base, chunk)], mv)
            pltpu.sync_copy(mv, acc.at[iv], add=True)
            return carry

        lax.fori_loop(0, eh // chunk, body, 0)

    run(mA_hbm, iA_hbm)
    run(mB_hbm, iB_hbm)
    plsc.subcore_barrier()
    pltpu.sync_copy(acc.at[pl.ds(s * stripe, stripe)],
                    out_hbm.at[pl.ds(c * n + s * stripe, stripe)])


def _mlp_body(xi, xj, eA, eB, w1a, w1b, b1, w2t4, b2, outA, outB):
    s = (jnp.dot(xi[...], w1a[...], preferred_element_type=_F32)
         + jnp.dot(xj[...], w1b[...], preferred_element_type=_F32)
         + b1[...])
    hA = jnp.maximum(s[:, :128] + eA[...], 0.0)
    hB = jnp.maximum(s[:, 128:] + eB[...], 0.0)
    outA[...] = jnp.dot(hA, w2t4[...], preferred_element_type=_F32) + b2[...]
    outB[...] = jnp.dot(hB, w2t4[...], preferred_element_type=_F32) + b2[...]


def _eaproj_body(ea_hbm, w_hbm, outA_hbm, outB_hbm, eabuf, bufA, bufB, wbuf,
                 *, nrows, ct):
    c = lax.axis_index("c")
    s = lax.axis_index("s")
    wid = s * NC + c
    pltpu.sync_copy(w_hbm, wbuf)
    wv = []
    for k in range(4):
        wv.append(wbuf[k, pl.ds(0, 16)])
        wv.append(wbuf[k, pl.ds(16, 16)])
    nq = nrows // ct
    nchunks = (nq + NW - 1) // NW

    def chunk(i, carry):
        q = wid + i * NW

        @pl.when(q < nq)
        def _():
            pltpu.sync_copy(ea_hbm.at[pl.ds(q * ct, ct)], eabuf)

            def pair(g, cin):
                v = cin
                t = g // 8
                lb = (g % 8) * 16
                ev = [eabuf[t, k, pl.ds(lb, 16)] for k in range(4)]
                r8 = g * 8
                for u in range(16):
                    e0, e1 = ev[0][u], ev[1][u]
                    e2, e3 = ev[2][u], ev[3][u]
                    flo = e0 * v[0] + e1 * v[2] + e2 * v[4] + e3 * v[6]
                    fhi = e0 * v[1] + e1 * v[3] + e2 * v[5] + e3 * v[7]
                    r = r8 + 4 * (u // 8) + (u % 4)
                    if (u // 4) % 2 == 0:
                        bufA[r, pl.ds(0, 16)] = flo
                        bufA[r, pl.ds(16, 16)] = fhi
                    else:
                        bufB[r, pl.ds(0, 16)] = flo
                        bufB[r, pl.ds(16, 16)] = fhi
                return v

            lax.fori_loop(0, ct * 8, pair, tuple(wv))
            half = ct * 64
            pltpu.sync_copy(bufA, outA_hbm.at[pl.ds(q * half, half)])
            pltpu.sync_copy(bufB, outB_hbm.at[pl.ds(q * half, half)])

        return carry

    lax.fori_loop(0, nchunks, chunk, 0)


def _softplus(z):
    return jnp.maximum(z, 0.0) + jnp.log(1.0 + jnp.exp(-jnp.abs(z)))


def _node_body(xr, pr, wbx, wbh, wmx, wmh, wsx, wsh,
               bc, bmu, bsig, highr, inv_out, ord_out):
    xpp = pr[0] + pr[1]
    xv = xr[...]
    zc = (jnp.dot(xv, wbx[...], preferred_element_type=_F32, precision=_HI)
          + jnp.dot(xpp, wbh[...], preferred_element_type=_F32, precision=_HI)
          + bc[...] + 1e-10)
    conc = _softplus(zc)
    total = jnp.sum(conc)
    inv_out[...] = conc / (total + 1e-20)
    zmu = (jnp.dot(xv, wmx[...], preferred_element_type=_F32, precision=_HI)
           + jnp.dot(xpp, wmh[...], preferred_element_type=_F32, precision=_HI)
           + bmu[...] + 1e-20)
    a = _softplus(zmu) + 1e-20
    zsg = (jnp.dot(xv, wsx[...], preferred_element_type=_F32, precision=_HI)
           + jnp.dot(xpp, wsh[...], preferred_element_type=_F32, precision=_HI)
           + bsig[...] + 1e-20)
    b = _softplus(zsg) + 1e-20
    ord_out[...] = a / (a + b) * highr[...]


def kernel(x, edge_index, edge_attr, W1, b1, W2, b2, Wc, bc, Wmu, bmu,
           Wsig, bsig, high, deterministic):
    N, NODE = x.shape
    E = edge_index.shape[1]
    EA = edge_attr.shape[1]
    HID = W2.shape[0]
    NF = high.shape[0]
    NN = 100
    G = N // NN

    ii = edge_index[0]
    jj = edge_index[1]

    epw = E // NW
    chunk = 2000
    mesh = plsc.VectorSubcoreMesh(core_axis_name="c", subcore_axis_name="s")
    sc_params = pltpu.CompilerParams(use_tc_tiling_on_sc=False)

    gather = pl.kernel(
        functools.partial(_gather_body, epw=epw, chunk=chunk),
        out_type=[jax.ShapeDtypeStruct((E, NODE), _F32),
                  jax.ShapeDtypeStruct((E, NODE), _F32)],
        mesh=mesh,
        scratch_types=[pltpu.VMEM((chunk,), jnp.int32),
                       pltpu.VMEM((chunk,), jnp.int32),
                       pltpu.VMEM((chunk, NODE), _F32),
                       pltpu.VMEM((chunk, NODE), _F32),
                       pltpu.SemaphoreType.DMA,
                       pltpu.SemaphoreType.DMA],
        compiler_params=sc_params,
    )
    xi, xj = gather(x, ii, jj)

    eaV = edge_attr.reshape(E // 128, 128, EA).transpose(0, 2, 1)
    w1cT = W1[:, 2 * NODE:].T
    CT = 25
    eaproj = pl.kernel(
        functools.partial(_eaproj_body, nrows=E // 128, ct=CT),
        out_type=[jax.ShapeDtypeStruct((E // 2, HID), _F32),
                  jax.ShapeDtypeStruct((E // 2, HID), _F32)],
        mesh=mesh,
        scratch_types=[pltpu.VMEM((CT, EA, 128), _F32),
                       pltpu.VMEM((CT * 64, HID), _F32),
                       pltpu.VMEM((CT * 64, HID), _F32),
                       pltpu.VMEM((EA, HID), _F32)],
        compiler_params=sc_params,
    )
    epA, epB = eaproj(eaV, w1cT)

    P = 8
    eye8 = jnp.eye(P, dtype=_F32)
    w1a = jnp.kron(eye8, W1[:, :NODE].T)
    w1b = jnp.kron(eye8, W1[:, NODE:2 * NODE].T)
    w2t4 = jnp.kron(jnp.eye(4, dtype=_F32), W2.T)
    b1r = jnp.tile(b1, P).reshape(1, P * HID)
    b2r4 = jnp.tile(b2, 4).reshape(1, 4 * HID)
    xi_p = xi.reshape(E // P, P * NODE)
    xj_p = xj.reshape(E // P, P * NODE)
    epA_p = epA.reshape(E // P, 128)
    epB_p = epB.reshape(E // P, 128)
    BR = 2000
    ER = E // P
    msgA_p, msgB_p = pl.pallas_call(
        _mlp_body,
        grid=(ER // BR,),
        in_specs=[
            pl.BlockSpec((BR, P * NODE), lambda e: (e, 0)),
            pl.BlockSpec((BR, P * NODE), lambda e: (e, 0)),
            pl.BlockSpec((BR, 128), lambda e: (e, 0)),
            pl.BlockSpec((BR, 128), lambda e: (e, 0)),
            pl.BlockSpec((P * NODE, P * HID), lambda e: (0, 0)),
            pl.BlockSpec((P * NODE, P * HID), lambda e: (0, 0)),
            pl.BlockSpec((1, P * HID), lambda e: (0, 0)),
            pl.BlockSpec((4 * HID, 4 * HID), lambda e: (0, 0)),
            pl.BlockSpec((1, 4 * HID), lambda e: (0, 0)),
        ],
        out_specs=[pl.BlockSpec((BR, 128), lambda e: (e, 0)),
                   pl.BlockSpec((BR, 128), lambda e: (e, 0))],
        out_shape=[jax.ShapeDtypeStruct((ER, 128), _F32),
                   jax.ShapeDtypeStruct((ER, 128), _F32)],
    )(xi_p, xj_p, epA_p, epB_p, w1a, w1b, b1r, w2t4, b2r4)
    msgA = msgA_p.reshape(E // 2, HID)
    msgB = msgB_p.reshape(E // 2, HID)
    iiA = ii.reshape(E // P, 2, 4)[:, 0, :].reshape(E // 2)
    iiB = ii.reshape(E // P, 2, 4)[:, 1, :].reshape(E // 2)

    schunk = 200
    zeros = jnp.zeros((N, HID), _F32)
    scatter = pl.kernel(
        functools.partial(_scatter_body, n=N, hid=HID, eh=E // 2 // NW,
                          chunk=schunk),
        out_type=jax.ShapeDtypeStruct((NC * N, HID), _F32),
        mesh=mesh,
        scratch_types=[pltpu.VMEM((schunk,), jnp.int32),
                       pltpu.VMEM((schunk, HID), _F32),
                       pltpu.VMEM_SHARED((N, HID), _F32)],
        compiler_params=sc_params,
    )
    part = scatter(zeros, msgA, msgB, iiA, iiB)

    xr = x.reshape(G, NN * NODE)
    pr = part.reshape(NC, G, NN * HID)
    eye = jnp.eye(NN, dtype=_F32)
    sel = (jnp.arange(NN)[:, None] == (NN - NF + jnp.arange(NF))[None, :])
    sel = sel.astype(_F32)
    wcx, wch = Wc[0, :NODE], Wc[0, NODE:]
    wmx, wmh = Wmu[0, :NODE], Wmu[0, NODE:]
    wsx, wsh = Wsig[0, :NODE], Wsig[0, NODE:]
    Wbx = jnp.kron(eye, wcx.reshape(NODE, 1))
    Wbh = jnp.kron(eye, wch.reshape(HID, 1))
    Wmx = jnp.kron(sel, wmx.reshape(NODE, 1))
    Wmh = jnp.kron(sel, wmh.reshape(HID, 1))
    Wsx = jnp.kron(sel, wsx.reshape(NODE, 1))
    Wsh = jnp.kron(sel, wsh.reshape(HID, 1))
    bcr = bc.reshape(1, 1)
    bmur = bmu.reshape(1, 1)
    bsigr = bsig.reshape(1, 1)
    highr = high.reshape(1, NF)

    inv, ordv = pl.pallas_call(
        _node_body,
        out_shape=[jax.ShapeDtypeStruct((G, NN), _F32),
                   jax.ShapeDtypeStruct((G, NF), _F32)],
        compiler_params=pltpu.CompilerParams(vmem_limit_bytes=63 << 20),
    )(xr, pr, Wbx, Wbh, Wmx, Wmh, Wsx, Wsh, bcr, bmur, bsigr, highr)

    return (inv, ordv)

# --- scband reference (transcript-rebuilt; emitter-appended) ---
"""Pipeline reference for scband-actor-1752346657358 (READ-ONLY COPY).

The authoritative reference and input builder live on the scoring server;
editing this copy changes nothing except your own understanding.
"""

import jax, jax.numpy as jnp
import numpy as np

N = 50000
E = 1600000
NODE = 16
EDGE = 4
HID = 32
NNODES = 100
NF = 3


def setup_inputs(seed: int = 0) -> dict:
    key = jax.random.key(seed)
    ks = jax.random.split(key, 16)
    x = jax.random.normal(ks[0], (N, NODE), dtype=jnp.float32)
    edge_index = jax.random.randint(ks[1], (2, E), 0, N, dtype=jnp.int32)
    edge_attr = jax.random.normal(ks[2], (E, EDGE), dtype=jnp.float32)
    # EdgeConv MLP: Linear(2*NODE+EDGE, HID) -> ReLU -> Linear(HID, HID)
    W1 = jax.random.normal(ks[3], (HID, 2 * NODE + EDGE), dtype=jnp.float32) * 0.1
    b1 = jnp.zeros((HID,), dtype=jnp.float32)
    W2 = jax.random.normal(ks[4], (HID, HID), dtype=jnp.float32) * 0.1
    b2 = jnp.zeros((HID,), dtype=jnp.float32)
    # heads: Linear(NODE+HID, 1)
    Wc = jax.random.normal(ks[5], (1, NODE + HID), dtype=jnp.float32) * 0.1
    bc = jnp.zeros((1,), dtype=jnp.float32)
    Wmu = jax.random.normal(ks[6], (1, NODE + HID), dtype=jnp.float32) * 0.1
    bmu = jnp.zeros((1,), dtype=jnp.float32)
    Wsig = jax.random.normal(ks[7], (1, NODE + HID), dtype=jnp.float32) * 0.1
    bsig = jnp.zeros((1,), dtype=jnp.float32)
    high = jnp.full((NF,), 25.0, dtype=jnp.float32)
    return {
        "x": x, "edge_index": edge_index, "edge_attr": edge_attr,
        "W1": W1, "b1": b1, "W2": W2, "b2": b2,
        "Wc": Wc, "bc": bc, "Wmu": Wmu, "bmu": bmu,
        "Wsig": Wsig, "bsig": bsig, "high": high,
        "deterministic": 1,
    }


def reference(x, edge_index, edge_attr, W1, b1, W2, b2, Wc, bc, Wmu, bmu, Wsig, bsig, high, deterministic):
    # EdgeConv with flow='target_to_source': i = edge_index[0], j = edge_index[1],
    # messages aggregated (add) at edge_index[0].
    idx_i = edge_index[0]
    idx_j = edge_index[1]
    x_i = jnp.take(x, idx_i, axis=0)
    x_j = jnp.take(x, idx_j, axis=0)
    tmp = jnp.concatenate([x_i, x_j, edge_attr], axis=1)
    msg = jax.nn.relu(tmp @ W1.T + b1) @ W2.T + b2
    x_pp = jax.ops.segment_sum(msg, idx_i, num_segments=N)
    x_pp = jnp.concatenate([x, x_pp], axis=1)
    x_pp = x_pp.reshape(-1, NNODES, NODE + HID)
    tail = x_pp[:, -NF:]
    alpha = jnp.squeeze(tail @ Wmu.T + bmu, -1)
    alpha = jax.nn.softplus(alpha + 1e-20)
    beta = jnp.squeeze(tail @ Wsig.T + bsig, -1)
    beta = jax.nn.softplus(beta + 1e-20)
    concentration = jax.nn.softplus(x_pp @ Wc.T + bc + 1e-10)
    concentration = jnp.squeeze(concentration, -1)
    # deterministic=True branch of the torch module
    inventory_act = concentration / (concentration.sum() + 1e-20)
    a = alpha + 1e-20
    b = beta + 1e-20
    order_act = a / (a + b)
    order_act = order_act * high
    return (inventory_act, order_act)

if __name__ == "__main__":
    import jax
    _d = setup_inputs()
    print(jax.jit(kernel)(*tuple(_d.values())))

</pallas_src>

<mosaic_0001>
#map = affine_map<(d0, d1) -> (0, 0, 0)>
#map1 = affine_map<(d0, d1) -> (0, 0)>
module attributes {stable_mosaic.version = 14 : i64} {
  func.func @_eaproj_body(%arg0: i32, %arg1: i32, %arg2: memref<12500x4x128xf32, #tpu.memory_space<hbm>>, %arg3: memref<4x32xf32, #tpu.memory_space<hbm>>, %arg4: memref<800000x32xf32, #tpu.memory_space<hbm>>, %arg5: memref<800000x32xf32, #tpu.memory_space<hbm>>, %arg6: memref<25x4x128xf32, #tpu.memory_space<vmem>>, %arg7: memref<1600x32xf32, #tpu.memory_space<vmem>>, %arg8: memref<1600x32xf32, #tpu.memory_space<vmem>>, %arg9: memref<4x32xf32, #tpu.memory_space<vmem>>) attributes {dimension_semantics = [#tpu.dimension_semantics<core_parallel>, #tpu.dimension_semantics<subcore_parallel>], iteration_bounds = array<i64: 2, 16>, scalar_prefetch = 0 : i64, scratch_operands = 4 : i64, tpu.core_type = #tpu.core_type<sc_vector_subcore>, window_params = [{transform_indices = #map}, {transform_indices = #map1}, {transform_indices = #map1}, {transform_indices = #map1}]} {
    %mul3A = arith.constant 2 : i32
    %mul3A_0 = arith.muli %arg1, %mul3A : i32
    %add3A = arith.addi %mul3A_0, %arg0 : i32
    "tpu.region"() ({
      %run_scoped3A = tpu.sem_alloc : memref<!tpu.dma_semaphore, #tpu.memory_space<semaphore_mem>>
      tpu.enqueue_dma source(%arg3 : memref<4x32xf32, #tpu.memory_space<hbm>>) target(%arg9 : memref<4x32xf32, #tpu.memory_space<vmem>>) target_semaphore(%run_scoped3A : memref<!tpu.dma_semaphore, #tpu.memory_space<semaphore_mem>>)
      tpu.wait_dma2 semaphore(%run_scoped3A : memref<!tpu.dma_semaphore, #tpu.memory_space<semaphore_mem>>) src(%arg3 : memref<4x32xf32, #tpu.memory_space<hbm>>) dst(%arg9 : memref<4x32xf32, #tpu.memory_space<vmem>>)
      tpu.yield
    }) : () -> ()
    %get3A = arith.constant 0 : i32
    %get3A_1 = arith.index_cast %get3A : i32 to index
    %get3A_2 = arith.constant 0 : index
    %get3A_3 = tpu.vector_load %arg9[%get3A_1, %get3A_2] {strides = array<i32>} : memref<4x32xf32, #tpu.memory_space<vmem>>, vector<1x16xf32>,
    %get3A_4 = vector.shape_cast %get3A_3 : vector<1x16xf32> to vector<16xf32>
    %get3A_5 = arith.constant 0 : i32
    %get3A_6 = arith.index_cast %get3A_5 : i32 to index
    %get3A_7 = arith.constant 16 : index
    %get3A_8 = tpu.vector_load %arg9[%get3A_6, %get3A_7] {strides = array<i32>} : memref<4x32xf32, #tpu.memory_space<vmem>>, vector<1x16xf32>,
    %get3A_9 = vector.shape_cast %get3A_8 : vector<1x16xf32> to vector<16xf32>
    %get3A_10 = arith.constant 1 : i32
    %get3A_11 = arith.index_cast %get3A_10 : i32 to index
    %get3A_12 = arith.constant 0 : index
    %get3A_13 = tpu.vector_load %arg9[%get3A_11, %get3A_12] {strides = array<i32>} : memref<4x32xf32, #tpu.memory_space<vmem>>, vector<1x16xf32>,
    %get3A_14 = vector.shape_cast %get3A_13 : vector<1x16xf32> to vector<16xf32>
    %get3A_15 = arith.constant 1 : i32
    %get3A_16 = arith.index_cast %get3A_15 : i32 to index
    %get3A_17 = arith.constant 16 : index
    %get3A_18 = tpu.vector_load %arg9[%get3A_16, %get3A_17] {strides = array<i32>} : memref<4x32xf32, #tpu.memory_space<vmem>>, vector<1x16xf32>,
    %get3A_19 = vector.shape_cast %get3A_18 : vector<1x16xf32> to vector<16xf32>
    %get3A_20 = arith.constant 2 : i32
    %get3A_21 = arith.index_cast %get3A_20 : i32 to index
    %get3A_22 = arith.constant 0 : index
    %get3A_23 = tpu.vector_load %arg9[%get3A_21, %get3A_22] {strides = array<i32>} : memref<4x32xf32, #tpu.memory_space<vmem>>, vector<1x16xf32>,
    %get3A_24 = vector.shape_cast %get3A_23 : vector<1x16xf32> to vector<16xf32>
    %get3A_25 = arith.constant 2 : i32
    %get3A_26 = arith.index_cast %get3A_25 : i32 to index
    %get3A_27 = arith.constant 16 : index
    %get3A_28 = tpu.vector_load %arg9[%get3A_26, %get3A_27] {strides = array<i32>} : memref<4x32xf32, #tpu.memory_space<vmem>>, vector<1x16xf32>,
    %get3A_29 = vector.shape_cast %get3A_28 : vector<1x16xf32> to vector<16xf32>
    %get3A_30 = arith.constant 3 : i32
    %get3A_31 = arith.index_cast %get3A_30 : i32 to index
    %get3A_32 = arith.constant 0 : index
    %get3A_33 = tpu.vector_load %arg9[%get3A_31, %get3A_32] {strides = array<i32>} : memref<4x32xf32, #tpu.memory_space<vmem>>, vector<1x16xf32>,
    %get3A_34 = vector.shape_cast %get3A_33 : vector<1x16xf32> to vector<16xf32>
    %get3A_35 = arith.constant 3 : i32
    %get3A_36 = arith.index_cast %get3A_35 : i32 to index
    %get3A_37 = arith.constant 16 : index
    %get3A_38 = tpu.vector_load %arg9[%get3A_36, %get3A_37] {strides = array<i32>} : memref<4x32xf32, #tpu.memory_space<vmem>>, vector<1x16xf32>,
    %get3A_39 = vector.shape_cast %get3A_38 : vector<1x16xf32> to vector<16xf32>
    %scan3A = arith.constant 0 : i32
    %scan3A_40 = arith.constant 0 : i32
    %scan3A_41 = arith.constant 16 : i32
    %scan3A_42 = arith.addi %scan3A_40, %scan3A_41 : i32
    %scan3A_43 = arith.constant 1 : i32
    scf.for %scan3A_45 = %scan3A_40 to %scan3A_42 step %scan3A_43  : i32 {
      %mul3A_46 = arith.constant 32 : i32
      %mul3A_47 = arith.muli %scan3A_45, %mul3A_46 : i32
      %add3A_48 = arith.addi %add3A, %mul3A_47 : i32
      %lt3A = arith.constant 500 : i32
      %lt3A_49 = arith.cmpi slt, %add3A_48, %lt3A : i32
      %convert_element_type3A = arith.extui %lt3A_49 : i1 to i32
      %cond3A = arith.constant 0 : i32
      %cond3A_50 = arith.cmpi ne, %convert_element_type3A, %cond3A : i32
      scf.if %cond3A_50 {
        %mul3A_51 = arith.constant 25 : i32
        %mul3A_52 = arith.muli %add3A_48, %mul3A_51 : i32
        "tpu.region"() ({
          %run_scoped3A = tpu.sem_alloc : memref<!tpu.dma_semaphore, #tpu.memory_space<semaphore_mem>>
          %dma_start3A = arith.constant 0 : i32
          %dma_start3A_62 = arith.constant 0 : i32
          %dma_start3A_63 = tpu.memref_slice %arg2[%mul3A_52, %dma_start3A, %dma_start3A_62] : memref<12500x4x128xf32, #tpu.memory_space<hbm>> -> memref<25x4x128xf32, #tpu.memory_space<hbm>>
          %dma_start3A_64 = arith.constant 0 : i32
          %dma_start3A_65 = arith.constant 0 : i32
          %dma_start3A_66 = tpu.memref_slice %arg2[%mul3A_52, %dma_start3A_64, %dma_start3A_65] : memref<12500x4x128xf32, #tpu.memory_space<hbm>> -> memref<25x4x128xf32, #tpu.memory_space<hbm>>
          tpu.enqueue_dma source(%dma_start3A_66 : memref<25x4x128xf32, #tpu.memory_space<hbm>>) target(%arg6 : memref<25x4x128xf32, #tpu.memory_space<vmem>>) target_semaphore(%run_scoped3A : memref<!tpu.dma_semaphore, #tpu.memory_space<semaphore_mem>>)
          %dma_wait3A = arith.constant 0 : i32
          %dma_wait3A_67 = arith.constant 0 : i32
          %dma_wait3A_68 = tpu.memref_slice %arg2[%mul3A_52, %dma_wait3A, %dma_wait3A_67] : memref<12500x4x128xf32, #tpu.memory_space<hbm>> -> memref<25x4x128xf32, #tpu.memory_space<hbm>>
          %dma_wait3A_69 = arith.constant 0 : i32
          %dma_wait3A_70 = arith.constant 0 : i32
          %dma_wait3A_71 = tpu.memref_slice %arg2[%mul3A_52, %dma_wait3A_69, %dma_wait3A_70] : memref<12500x4x128xf32, #tpu.memory_space<hbm>> -> memref<25x4x128xf32, #tpu.memory_space<hbm>>
          tpu.wait_dma2 semaphore(%run_scoped3A : memref<!tpu.dma_semaphore, #tpu.memory_space<semaphore_mem>>) src(%dma_wait3A_71 : memref<25x4x128xf32, #tpu.memory_space<hbm>>) dst(%arg6 : memref<25x4x128xf32, #tpu.memory_space<vmem>>)
          tpu.yield
        }) : () -> ()
        %scan3A_53 = arith.constant 0 : i32
        %scan3A_54 = arith.constant 200 : i32
        %scan3A_55 = arith.addi %scan3A_53, %scan3A_54 : i32
        %scan3A_56 = arith.constant 1 : i32
        scf.for %scan3A_62 = %scan3A_53 to %scan3A_55 step %scan3A_56  : i32 {
          %jit3A = arith.constant 8 : i32
          %div3A = arith.divsi %scan3A_62, %jit3A : i32
          %sign3A = arith.constant 0 : i32
          %sign3A_63 = arith.cmpi sgt, %scan3A_62, %sign3A : i32
          %sign3A_64 = arith.extui %sign3A_63 : i1 to i32
          %sign3A_65 = arith.constant 0 : i32
          %sign3A_66 = arith.cmpi slt, %scan3A_62, %sign3A_65 : i32
          %sign3A_67 = arith.extui %sign3A_66 : i1 to i32
          %sign3A_68 = arith.subi %sign3A_64, %sign3A_67 : i32
          %sign3A_69 = arith.constant 0 : i32
          %sign3A_70 = arith.cmpi sgt, %jit3A, %sign3A_69 : i32
          %sign3A_71 = arith.extui %sign3A_70 : i1 to i32
          %sign3A_72 = arith.constant 0 : i32
          %sign3A_73 = arith.cmpi slt, %jit3A, %sign3A_72 : i32
          %sign3A_74 = arith.extui %sign3A_73 : i1 to i32
          %sign3A_75 = arith.subi %sign3A_71, %sign3A_74 : i32
          %ne3A = arith.cmpi ne, %sign3A_68, %sign3A_75 : i32
          %rem3A = arith.remsi %scan3A_62, %jit3A : i32
          %ne3A_76 = arith.constant 0 : i32
          %ne3A_77 = arith.cmpi ne, %rem3A, %ne3A_76 : i32
          %and3A = arith.andi %ne3A, %ne3A_77 : i1
          %sub3A = arith.constant 1 : i32
          %sub3A_78 = arith.subi %div3A, %sub3A : i32
          %select_n3A = arith.select %and3A, %sub3A_78, %div3A : i32
          %jit3A_79 = arith.constant 8 : i32
          %eq3A = arith.constant 0 : i32
          %eq3A_80 = arith.cmpi eq, %jit3A_79, %eq3A : i32
          %jit3A_81 = arith.constant 1 : i32
          %select_n3A_82 = arith.select %eq3A_80, %jit3A_81, %jit3A_79 : i32
          %rem3A_83 = arith.remsi %scan3A_62, %select_n3A_82 : i32
          %ne3A_84 = arith.constant 0 : i32
          %ne3A_85 = arith.cmpi ne, %rem3A_83, %ne3A_84 : i32
          %lt3A_86 = arith.constant 0 : i32
          %lt3A_87 = arith.cmpi slt, %rem3A_83, %lt3A_86 : i32
          %lt3A_88 = arith.constant 0 : i32
          %lt3A_89 = arith.cmpi slt, %select_n3A_82, %lt3A_88 : i32
          %ne3A_90 = arith.xori %lt3A_87, %lt3A_89 : i1
          %and3A_91 = arith.andi %ne3A_90, %ne3A_85 : i1
          %add3A_92 = arith.addi %rem3A_83, %select_n3A_82 : i32
          %select_n3A_93 = arith.select %and3A_91, %add3A_92, %rem3A_83 : i32
          %mul3A_94 = arith.constant 16 : i32
          %mul3A_95 = arith.muli %select_n3A_93, %mul3A_94 : i32
          %get3A_96 = arith.constant 0 : i32
          %get3A_97 = arith.index_cast %select_n3A : i32 to index
          %get3A_98 = arith.index_cast %get3A_96 : i32 to index
          %get3A_99 = arith.index_cast %mul3A_95 : i32 to index
          %get3A_100 = tpu.vector_load %arg6[%get3A_97, %get3A_98, %get3A_99] {strides = array<i32>} : memref<25x4x128xf32, #tpu.memory_space<vmem>>, vector<1x1x16xf32>,
          %get3A_101 = vector.shape_cast %get3A_100 : vector<1x1x16xf32> to vector<16xf32>
          %get3A_102 = arith.constant 1 : i32
          %get3A_103 = arith.index_cast %select_n3A : i32 to index
          %get3A_104 = arith.index_cast %get3A_102 : i32 to index
          %get3A_105 = arith.index_cast %mul3A_95 : i32 to index
          %get3A_106 = tpu.vector_load %arg6[%get3A_103, %get3A_104, %get3A_105] {strides = array<i32>} : memref<25x4x128xf32, #tpu.memory_space<vmem>>, vector<1x1x16xf32>,
          %get3A_107 = vector.shape_cast %get3A_106 : vector<1x1x16xf32> to vector<16xf32>
          %get3A_108 = arith.constant 2 : i32
          %get3A_109 = arith.index_cast %select_n3A : i32 to index
          %get3A_110 = arith.index_cast %get3A_108 : i32 to index
          %get3A_111 = arith.index_cast %mul3A_95 : i32 to index
          %get3A_112 = tpu.vector_load %arg6[%get3A_109, %get3A_110, %get3A_111] {strides = array<i32>} : memref<25x4x128xf32, #tpu.memory_space<vmem>>, vector<1x1x16xf32>,
          %get3A_113 = vector.shape_cast %get3A_112 : vector<1x1x16xf32> to vector<16xf32>
          %get3A_114 = arith.constant 3 : i32
          %get3A_115 = arith.index_cast %select_n3A : i32 to index
          %get3A_116 = arith.index_cast %get3A_114 : i32 to index
          %get3A_117 = arith.index_cast %mul3A_95 : i32 to index
          %get3A_118 = tpu.vector_load %arg6[%get3A_115, %get3A_116, %get3A_117] {strides = array<i32>} : memref<25x4x128xf32, #tpu.memory_space<vmem>>, vector<1x1x16xf32>,
          %get3A_119 = vector.shape_cast %get3A_118 : vector<1x1x16xf32> to vector<16xf32>
          %mul3A_120 = arith.constant 8 : i32
          %mul3A_121 = arith.muli %scan3A_62, %mul3A_120 : i32
          %slice3A = vector.extract_strided_slice %get3A_101 {offsets = [0], sizes = [1], strides = [1]} : vector<16xf32> to vector<1xf32>
          %squeeze3A = vector.extract %slice3A[0] : f32 from vector<1xf32>
          %slice3A_122 = vector.extract_strided_slice %get3A_107 {offsets = [0], sizes = [1], strides = [1]} : vector<16xf32> to vector<1xf32>
          %squeeze3A_123 = vector.extract %slice3A_122[0] : f32 from vector<1xf32>
          %slice3A_124 = vector.extract_strided_slice %get3A_113 {offsets = [0], sizes = [1], strides = [1]} : vector<16xf32> to vector<1xf32>
          %squeeze3A_125 = vector.extract %slice3A_124[0] : f32 from vector<1xf32>
          %slice3A_126 = vector.extract_strided_slice %get3A_119 {offsets = [0], sizes = [1], strides = [1]} : vector<16xf32> to vector<1xf32>
          %squeeze3A_127 = vector.extract %slice3A_126[0] : f32 from vector<1xf32>
          %mul3A_128 = vector.broadcast %squeeze3A : f32 to vector<16xf32>
          %mul3A_129 = arith.mulf %mul3A_128, %get3A_4 : vector<16xf32>
          %mul3A_130 = vector.broadcast %squeeze3A_123 : f32 to vector<16xf32>
          %mul3A_131 = arith.mulf %mul3A_130, %get3A_14 : vector<16xf32>
          %add3A_132 = arith.addf %mul3A_129, %mul3A_131 : vector<16xf32>
          %mul3A_133 = vector.broadcast %squeeze3A_125 : f32 to vector<16xf32>
          %mul3A_134 = arith.mulf %mul3A_133, %get3A_24 : vector<16xf32>
          %add3A_135 = arith.addf %add3A_132, %mul3A_134 : vector<16xf32>
          %mul3A_136 = vector.broadcast %squeeze3A_127 : f32 to vector<16xf32>
          %mul3A_137 = arith.mulf %mul3A_136, %get3A_34 : vector<16xf32>
          %add3A_138 = arith.addf %add3A_135, %mul3A_137 : vector<16xf32>
          %mul3A_139 = vector.broadcast %squeeze3A : f32 to vector<16xf32>
          %mul3A_140 = arith.mulf %mul3A_139, %get3A_9 : vector<16xf32>
          %mul3A_141 = vector.broadcast %squeeze3A_123 : f32 to vector<16xf32>
          %mul3A_142 = arith.mulf %mul3A_141, %get3A_19 : vector<16xf32>
          %add3A_143 = arith.addf %mul3A_140, %mul3A_142 : vector<16xf32>
          %mul3A_144 = vector.broadcast %squeeze3A_125 : f32 to vector<16xf32>
          %mul3A_145 = arith.mulf %mul3A_144, %get3A_29 : vector<16xf32>
          %add3A_146 = arith.addf %add3A_143, %mul3A_145 : vector<16xf32>
          %mul3A_147 = vector.broadcast %squeeze3A_127 : f32 to vector<16xf32>
          %mul3A_148 = arith.mulf %mul3A_147, %get3A_39 : vector<16xf32>
          %add3A_149 = arith.addf %add3A_146, %mul3A_148 : vector<16xf32>
          %add3A_150 = arith.constant 0 : i32
          %add3A_151 = arith.addi %mul3A_121, %add3A_150 : i32
          %add3A_152 = arith.constant 0 : i32
          %add3A_153 = arith.addi %add3A_151, %add3A_152 : i32
          %swap3A = arith.index_cast %add3A_153 : i32 to index
          %swap3A_154 = arith.constant 0 : index
          %swap3A_155 = tpu.vector_load %arg7[%swap3A, %swap3A_154] {strides = array<i32>} : memref<1600x32xf32, #tpu.memory_space<vmem>>, vector<1x16xf32>,
          %swap3A_156 = vector.shape_cast %swap3A_155 : vector<1x16xf32> to vector<16xf32>
          %swap3A_157 = vector.shape_cast %add3A_138 : vector<16xf32> to vector<1x16xf32>
          tpu.vector_store %arg7[%swap3A, %swap3A_154], %swap3A_157 {strides = array<i32>} : memref<1600x32xf32, #tpu.memory_space<vmem>>, vector<1x16xf32>,
          %swap3A_158 = arith.index_cast %add3A_153 : i32 to index
          %swap3A_159 = arith.constant 16 : index
          %swap3A_160 = tpu.vector_load %arg7[%swap3A_158, %swap3A_159] {strides = array<i32>} : memref<1600x32xf32, #tpu.memory_space<vmem>>, vector<1x16xf32>,
          %swap3A_161 = vector.shape_cast %swap3A_160 : vector<1x16xf32> to vector<16xf32>
          %swap3A_162 = vector.shape_cast %add3A_149 : vector<16xf32> to vector<1x16xf32>
          tpu.vector_store %arg7[%swap3A_158, %swap3A_159], %swap3A_162 {strides = array<i32>} : memref<1600x32xf32, #tpu.memory_space<vmem>>, vector<1x16xf32>,
          %slice3A_163 = vector.extract_strided_slice %get3A_101 {offsets = [1], sizes = [1], strides = [1]} : vector<16xf32> to vector<1xf32>
          %squeeze3A_164 = vector.extract %slice3A_163[0] : f32 from vector<1xf32>
          %slice3A_165 = vector.extract_strided_slice %get3A_107 {offsets = [1], sizes = [1], strides = [1]} : vector<16xf32> to vector<1xf32>
          %squeeze3A_166 = vector.extract %slice3A_165[0] : f32 from vector<1xf32>
          %slice3A_167 = vector.extract_strided_slice %get3A_113 {offsets = [1], sizes = [1], strides = [1]} : vector<16xf32> to vector<1xf32>
          %squeeze3A_168 = vector.extract %slice3A_167[0] : f32 from vector<1xf32>
          %slice3A_169 = vector.extract_strided_slice %get3A_119 {offsets = [1], sizes = [1], strides = [1]} : vector<16xf32> to vector<1xf32>
          %squeeze3A_170 = vector.extract %slice3A_169[0] : f32 from vector<1xf32>
          %mul3A_171 = vector.broadcast %squeeze3A_164 : f32 to vector<16xf32>
          %mul3A_172 = arith.mulf %mul3A_171, %get3A_4 : vector<16xf32>
          %mul3A_173 = vector.broadcast %squeeze3A_166 : f32 to vector<16xf32>
          %mul3A_174 = arith.mulf %mul3A_173, %get3A_14 : vector<16xf32>
          %add3A_175 = arith.addf %mul3A_172, %mul3A_174 : vector<16xf32>
          %mul3A_176 = vector.broadcast %squeeze3A_168 : f32 to vector<16xf32>
          %mul3A_177 = arith.mulf %mul3A_176, %get3A_24 : vector<16xf32>
          %add3A_178 = arith.addf %add3A_175, %mul3A_177 : vector<16xf32>
          %mul3A_179 = vector.broadcast %squeeze3A_170 : f32 to vector<16xf32>
          %mul3A_180 = arith.mulf %mul3A_179, %get3A_34 : vector<16xf32>
          %add3A_181 = arith.addf %add3A_178, %mul3A_180 : vector<16xf32>
          %mul3A_182 = vector.broadcast %squeeze3A_164 : f32 to vector<16xf32>
          %mul3A_183 = arith.mulf %mul3A_182, %get3A_9 : vector<16xf32>
          %mul3A_184 = vector.broadcast %squeeze3A_166 : f32 to vector<16xf32>
          %mul3A_185 = arith.mulf %mul3A_184, %get3A_19 : vector<16xf32>
          %add3A_186 = arith.addf %mul3A_183, %mul3A_185 : vector<16xf32>
          %mul3A_187 = vector.broadcast %squeeze3A_168 : f32 to vector<16xf32>
          %mul3A_188 = arith.mulf %mul3A_187, %get3A_29 : vector<16xf32>
          %add3A_189 = arith.addf %add3A_186, %mul3A_188 : vector<16xf32>
          %mul3A_190 = vector.broadcast %squeeze3A_170 : f32 to vector<16xf32>
          %mul3A_191 = arith.mulf %mul3A_190, %get3A_39 : vector<16xf32>
          %add3A_192 = arith.addf %add3A_189, %mul3A_191 : vector<16xf32>
          %add3A_193 = arith.constant 0 : i32
          %add3A_194 = arith.addi %mul3A_121, %add3A_193 : i32
          %add3A_195 = arith.constant 1 : i32
          %add3A_196 = arith.addi %add3A_194, %add3A_195 : i32
          %swap3A_197 = arith.index_cast %add3A_196 : i32 to index
          %swap3A_198 = arith.constant 0 : index
          %swap3A_199 = tpu.vector_load %arg7[%swap3A_197, %swap3A_198] {strides = array<i32>} : memref<1600x32xf32, #tpu.memory_space<vmem>>, vector<1x16xf32>,
          %swap3A_200 = vector.shape_cast %swap3A_199 : vector<1x16xf32> to vector<16xf32>
          %swap3A_201 = vector.shape_cast %add3A_181 : vector<16xf32> to vector<1x16xf32>
          tpu.vector_store %arg7[%swap3A_197, %swap3A_198], %swap3A_201 {strides = array<i32>} : memref<1600x32xf32, #tpu.memory_space<vmem>>, vector<1x16xf32>,
          %swap3A_202 = arith.index_cast %add3A_196 : i32 to index
          %swap3A_203 = arith.constant 16 : index
          %swap3A_204 = tpu.vector_load %arg7[%swap3A_202, %swap3A_203] {strides = array<i32>} : memref<1600x32xf32, #tpu.memory_space<vmem>>, vector<1x16xf32>,
          %swap3A_205 = vector.shape_cast %swap3A_204 : vector<1x16xf32> to vector<16xf32>
          %swap3A_206 = vector.shape_cast %add3A_192 : vector<16xf32> to vector<1x16xf32>
          tpu.vector_store %arg7[%swap3A_202, %swap3A_203], %swap3A_206 {strides = array<i32>} : memref<1600x32xf32, #tpu.memory_space<vmem>>, vector<1x16xf32>,
          %slice3A_207 = vector.extract_strided_slice %get3A_101 {offsets = [2], sizes = [1], strides = [1]} : vector<16xf32> to vector<1xf32>
          %squeeze3A_208 = vector.extract %slice3A_207[0] : f32 from vector<1xf32>
          %slice3A_209 = vector.extract_strided_slice %get3A_107 {offsets = [2], sizes = [1], strides = [1]} : vector<16xf32> to vector<1xf32>
          %squeeze3A_210 = vector.extract %slice3A_209[0] : f32 from vector<1xf32>
          %slice3A_211 = vector.extract_strided_slice %get3A_113 {offsets = [2], sizes = [1], strides = [1]} : vector<16xf32> to vector<1xf32>
          %squeeze3A_212 = vector.extract %slice3A_211[0] : f32 from vector<1xf32>
          %slice3A_213 = vector.extract_strided_slice %get3A_119 {offsets = [2], sizes = [1], strides = [1]} : vector<16xf32> to vector<1xf32>
          %squeeze3A_214 = vector.extract %slice3A_213[0] : f32 from vector<1xf32>
          %mul3A_215 = vector.broadcast %squeeze3A_208 : f32 to vector<16xf32>
          %mul3A_216 = arith.mulf %mul3A_215, %get3A_4 : vector<16xf32>
          %mul3A_217 = vector.broadcast %squeeze3A_210 : f32 to vector<16xf32>
          %mul3A_218 = arith.mulf %mul3A_217, %get3A_14 : vector<16xf32>
          %add3A_219 = arith.addf %mul3A_216, %mul3A_218 : vector<16xf32>
          %mul3A_220 = vector.broadcast %squeeze3A_212 : f32 to vector<16xf32>
          %mul3A_221 = arith.mulf %mul3A_220, %get3A_24 : vector<16xf32>
          %add3A_222 = arith.addf %add3A_219, %mul3A_221 : vector<16xf32>
          %mul3A_223 = vector.broadcast %squeeze3A_214 : f32 to vector<16xf32>
          %mul3A_224 = arith.mulf %mul3A_223, %get3A_34 : vector<16xf32>
          %add3A_225 = arith.addf %add3A_222, %mul3A_224 : vector<16xf32>
          %mul3A_226 = vector.broadcast %squeeze3A_208 : f32 to vector<16xf32>
          %mul3A_227 = arith.mulf %mul3A_226, %get3A_9 : vector<16xf32>
          %mul3A_228 = vector.broadcast %squeeze3A_210 : f32 to vector<16xf32>
          %mul3A_229 = arith.mulf %mul3A_228, %get3A_19 : vector<16xf32>
          %add3A_230 = arith.addf %mul3A_227, %mul3A_229 : vector<16xf32>
          %mul3A_231 = vector.broadcast %squeeze3A_212 : f32 to vector<16xf32>
          %mul3A_232 = arith.mulf %mul3A_231, %get3A_29 : vector<16xf32>
          %add3A_233 = arith.addf %add3A_230, %mul3A_232 : vector<16xf32>
          %mul3A_234 = vector.broadcast %squeeze3A_214 : f32 to vector<16xf32>
          %mul3A_235 = arith.mulf %mul3A_234, %get3A_39 : vector<16xf32>
          %add3A_236 = arith.addf %add3A_233, %mul3A_235 : vector<16xf32>
          %add3A_237 = arith.constant 0 : i32
          %add3A_238 = arith.addi %mul3A_121, %add3A_237 : i32
          %add3A_239 = arith.constant 2 : i32
          %add3A_240 = arith.addi %add3A_238, %add3A_239 : i32
          %swap3A_241 = arith.index_cast %add3A_240 : i32 to index
          %swap3A_242 = arith.constant 0 : index
          %swap3A_243 = tpu.vector_load %arg7[%swap3A_241, %swap3A_242] {strides = array<i32>} : memref<1600x32xf32, #tpu.memory_space<vmem>>, vector<1x16xf32>,
          %swap3A_244 = vector.shape_cast %swap3A_243 : vector<1x16xf32> to vector<16xf32>
          %swap3A_245 = vector.shape_cast %add3A_225 : vector<16xf32> to vector<1x16xf32>
          tpu.vector_store %arg7[%swap3A_241, %swap3A_242], %swap3A_245 {strides = array<i32>} : memref<1600x32xf32, #tpu.memory_space<vmem>>, vector<1x16xf32>,
          %swap3A_246 = arith.index_cast %add3A_240 : i32 to index
          %swap3A_247 = arith.constant 16 : index
          %swap3A_248 = tpu.vector_load %arg7[%swap3A_246, %swap3A_247] {strides = array<i32>} : memref<1600x32xf32, #tpu.memory_space<vmem>>, vector<1x16xf32>,
          %swap3A_249 = vector.shape_cast %swap3A_248 : vector<1x16xf32> to vector<16xf32>
          %swap3A_250 = vector.shape_cast %add3A_236 : vector<16xf32> to vector<1x16xf32>
          tpu.vector_store %arg7[%swap3A_246, %swap3A_247], %swap3A_250 {strides = array<i32>} : memref<1600x32xf32, #tpu.memory_space<vmem>>, vector<1x16xf32>,
          %slice3A_251 = vector.extract_strided_slice %get3A_101 {offsets = [3], sizes = [1], strides = [1]} : vector<16xf32> to vector<1xf32>
          %squeeze3A_252 = vector.extract %slice3A_251[0] : f32 from vector<1xf32>
          %slice3A_253 = vector.extract_strided_slice %get3A_107 {offsets = [3], sizes = [1], strides = [1]} : vector<16xf32> to vector<1xf32>
          %squeeze3A_254 = vector.extract %slice3A_253[0] : f32 from vector<1xf32>
          %slice3A_255 = vector.extract_strided_slice %get3A_113 {offsets = [3], sizes = [1], strides = [1]} : vector<16xf32> to vector<1xf32>
          %squeeze3A_256 = vector.extract %slice3A_255[0] : f32 from vector<1xf32>
          %slice3A_257 = vector.extract_strided_slice %get3A_119 {offsets = [3], sizes = [1], strides = [1]} : vector<16xf32> to vector<1xf32>
          %squeeze3A_258 = vector.extract %slice3A_257[0] : f32 from vector<1xf32>
          %mul3A_259 = vector.broadcast %squeeze3A_252 : f32 to vector<16xf32>
          %mul3A_260 = arith.mulf %mul3A_259, %get3A_4 : vector<16xf32>
          %mul3A_261 = vector.broadcast %squeeze3A_254 : f32 to vector<16xf32>
          %mul3A_262 = arith.mulf %mul3A_261, %get3A_14 : vector<16xf32>
          %add3A_263 = arith.addf %mul3A_260, %mul3A_262 : vector<16xf32>
          %mul3A_264 = vector.broadcast %squeeze3A_256 : f32 to vector<16xf32>
          %mul3A_265 = arith.mulf %mul3A_264, %get3A_24 : vector<16xf32>
          %add3A_266 = arith.addf %add3A_263, %mul3A_265 : vector<16xf32>
          %mul3A_267 = vector.broadcast %squeeze3A_258 : f32 to vector<16xf32>
          %mul3A_268 = arith.mulf %mul3A_267, %get3A_34 : vector<16xf32>
          %add3A_269 = arith.addf %add3A_266, %mul3A_268 : vector<16xf32>
          %mul3A_270 = vector.broadcast %squeeze3A_252 : f32 to vector<16xf32>
          %mul3A_271 = arith.mulf %mul3A_270, %get3A_9 : vector<16xf32>
          %mul3A_272 = vector.broadcast %squeeze3A_254 : f32 to vector<16xf32>
          %mul3A_273 = arith.mulf %mul3A_272, %get3A_19 : vector<16xf32>
          %add3A_274 = arith.addf %mul3A_271, %mul3A_273 : vector<16xf32>
          %mul3A_275 = vector.broadcast %squeeze3A_256 : f32 to vector<16xf32>
          %mul3A_276 = arith.mulf %mul3A_275, %get3A_29 : vector<16xf32>
          %add3A_277 = arith.addf %add3A_274, %mul3A_276 : vector<16xf32>
          %mul3A_278 = vector.broadcast %squeeze3A_258 : f32 to vector<16xf32>
          %mul3A_279 = arith.mulf %mul3A_278, %get3A_39 : vector<16xf32>
          %add3A_280 = arith.addf %add3A_277, %mul3A_279 : vector<16xf32>
          %add3A_281 = arith.constant 0 : i32
          %add3A_282 = arith.addi %mul3A_121, %add3A_281 : i32
          %add3A_283 = arith.constant 3 : i32
          %add3A_284 = arith.addi %add3A_282, %add3A_283 : i32
          %swap3A_285 = arith.index_cast %add3A_284 : i32 to index
          %swap3A_286 = arith.constant 0 : index
          %swap3A_287 = tpu.vector_load %arg7[%swap3A_285, %swap3A_286] {strides = array<i32>} : memref<1600x32xf32, #tpu.memory_space<vmem>>, vector<1x16xf32>,
          %swap3A_288 = vector.shape_cast %swap3A_287 : vector<1x16xf32> to vector<16xf32>
          %swap3A_289 = vector.shape_cast %add3A_269 : vector<16xf32> to vector<1x16xf32>
          tpu.vector_store %arg7[%swap3A_285, %swap3A_286], %swap3A_289 {strides = array<i32>} : memref<1600x32xf32, #tpu.memory_space<vmem>>, vector<1x16xf32>,
          %swap3A_290 = arith.index_cast %add3A_284 : i32 to index
          %swap3A_291 = arith.constant 16 : index
          %swap3A_292 = tpu.vector_load %arg7[%swap3A_290, %swap3A_291] {strides = array<i32>} : memref<1600x32xf32, #tpu.memory_space<vmem>>, vector<1x16xf32>,
          %swap3A_293 = vector.shape_cast %swap3A_292 : vector<1x16xf32> to vector<16xf32>
          %swap3A_294 = vector.shape_cast %add3A_280 : vector<16xf32> to vector<1x16xf32>
          tpu.vector_store %arg7[%swap3A_290, %swap3A_291], %swap3A_294 {strides = array<i32>} : memref<1600x32xf32, #tpu.memory_space<vmem>>, vector<1x16xf32>,
          %slice3A_295 = vector.extract_strided_slice %get3A_101 {offsets = [4], sizes = [1], strides = [1]} : vector<16xf32> to vector<1xf32>
          %squeeze3A_296 = vector.extract %slice3A_295[0] : f32 from vector<1xf32>
          %slice3A_297 = vector.extract_strided_slice %get3A_107 {offsets = [4], sizes = [1], strides = [1]} : vector<16xf32> to vector<1xf32>
          %squeeze3A_298 = vector.extract %slice3A_297[0] : f32 from vector<1xf32>
          %slice3A_299 = vector.extract_strided_slice %get3A_113 {offsets = [4], sizes = [1], strides = [1]} : vector<16xf32> to vector<1xf32>
          %squeeze3A_300 = vector.extract %slice3A_299[0] : f32 from vector<1xf32>
          %slice3A_301 = vector.extract_strided_slice %get3A_119 {offsets = [4], sizes = [1], strides = [1]} : vector<16xf32> to vector<1xf32>
          %squeeze3A_302 = vector.extract %slice3A_301[0] : f32 from vector<1xf32>
          %mul3A_303 = vector.broadcast %squeeze3A_296 : f32 to vector<16xf32>
          %mul3A_304 = arith.mulf %mul3A_303, %get3A_4 : vector<16xf32>
          %mul3A_305 = vector.broadcast %squeeze3A_298 : f32 to vector<16xf32>
          %mul3A_306 = arith.mulf %mul3A_305, %get3A_14 : vector<16xf32>
          %add3A_307 = arith.addf %mul3A_304, %mul3A_306 : vector<16xf32>
          %mul3A_308 = vector.broadcast %squeeze3A_300 : f32 to vector<16xf32>
          %mul3A_309 = arith.mulf %mul3A_308, %get3A_24 : vector<16xf32>
          %add3A_310 = arith.addf %add3A_307, %mul3A_309 : vector<16xf32>
          %mul3A_311 = vector.broadcast %squeeze3A_302 : f32 to vector<16xf32>
          %mul3A_312 = arith.mulf %mul3A_311, %get3A_34 : vector<16xf32>
          %add3A_313 = arith.addf %add3A_310, %mul3A_312 : vector<16xf32>
          %mul3A_314 = vector.broadcast %squeeze3A_296 : f32 to vector<16xf32>
          %mul3A_315 = arith.mulf %mul3A_314, %get3A_9 : vector<16xf32>
          %mul3A_316 = vector.broadcast %squeeze3A_298 : f32 to vector<16xf32>
          %mul3A_317 = arith.mulf %mul3A_316, %get3A_19 : vector<16xf32>
          %add3A_318 = arith.addf %mul3A_315, %mul3A_317 : vector<16xf32>
          %mul3A_319 = vector.broadcast %squeeze3A_300 : f32 to vector<16xf32>
          %mul3A_320 = arith.mulf %mul3A_319, %get3A_29 : vector<16xf32>
          %add3A_321 = arith.addf %add3A_318, %mul3A_320 : vector<16xf32>
          %mul3A_322 = vector.broadcast %squeeze3A_302 : f32 to vector<16xf32>
          %mul3A_323 = arith.mulf %mul3A_322, %get3A_39 : vector<16xf32>
          %add3A_324 = arith.addf %add3A_321, %mul3A_323 : vector<16xf32>
          %add3A_325 = arith.constant 0 : i32
          %add3A_326 = arith.addi %mul3A_121, %add3A_325 : i32
          %add3A_327 = arith.constant 0 : i32
          %add3A_328 = arith.addi %add3A_326, %add3A_327 : i32
          %swap3A_329 = arith.index_cast %add3A_328 : i32 to index
          %swap3A_330 = arith.constant 0 : index
          %swap3A_331 = tpu.vector_load %arg8[%swap3A_329, %swap3A_330] {strides = array<i32>} : memref<1600x32xf32, #tpu.memory_space<vmem>>, vector<1x16xf32>,
          %swap3A_332 = vector.shape_cast %swap3A_331 : vector<1x16xf32> to vector<16xf32>
          %swap3A_333 = vector.shape_cast %add3A_313 : vector<16xf32> to vector<1x16xf32>
          tpu.vector_store %arg8[%swap3A_329, %swap3A_330], %swap3A_333 {strides = array<i32>} : memref<1600x32xf32, #tpu.memory_space<vmem>>, vector<1x16xf32>,
          %swap3A_334 = arith.index_cast %add3A_328 : i32 to index
          %swap3A_335 = arith.constant 16 : index
          %swap3A_336 = tpu.vector_load %arg8[%swap3A_334, %swap3A_335] {strides = array<i32>} : memref<1600x32xf32, #tpu.memory_space<vmem>>, vector<1x16xf32>,
          %swap3A_337 = vector.shape_cast %swap3A_336 : vector<1x16xf32> to vector<16xf32>
          %swap3A_338 = vector.shape_cast %add3A_324 : vector<16xf32> to vector<1x16xf32>
          tpu.vector_store %arg8[%swap3A_334, %swap3A_335], %swap3A_338 {strides = array<i32>} : memref<1600x32xf32, #tpu.memory_space<vmem>>, vector<1x16xf32>,
          %slice3A_339 = vector.extract_strided_slice %get3A_101 {offsets = [5], sizes = [1], strides = [1]} : vector<16xf32> to vector<1xf32>
          %squeeze3A_340 = vector.extract %slice3A_339[0] : f32 from vector<1xf32>
          %slice3A_341 = vector.extract_strided_slice %get3A_107 {offsets = [5], sizes = [1], strides = [1]} : vector<16xf32> to vector<1xf32>
          %squeeze3A_342 = vector.extract %slice3A_341[0] : f32 from vector<1xf32>
          %slice3A_343 = vector.extract_strided_slice %get3A_113 {offsets = [5], sizes = [1], strides = [1]} : vector<16xf32> to vector<1xf32>
          %squeeze3A_344 = vector.extract %slice3A_343[0] : f32 from vector<1xf32>
          %slice3A_345 = vector.extract_strided_slice %get3A_119 {offsets = [5], sizes = [1], strides = [1]} : vector<16xf32> to vector<1xf32>
          %squeeze3A_346 = vector.extract %slice3A_345[0] : f32 from vector<1xf32>
          %mul3A_347 = vector.broadcast %squeeze3A_340 : f32 to vector<16xf32>
          %mul3A_348 = arith.mulf %mul3A_347, %get3A_4 : vector<16xf32>
          %mul3A_349 = vector.broadcast %squeeze3A_342 : f32 to vector<16xf32>
          %mul3A_350 = arith.mulf %mul3A_349, %get3A_14 : vector<16xf32>
          %add3A_351 = arith.addf %mul3A_348, %mul3A_350 : vector<16xf32>
          %mul3A_352 = vector.broadcast %squeeze3A_344 : f32 to vector<16xf32>
          %mul3A_353 = arith.mulf %mul3A_352, %get3A_24 : vector<16xf32>
          %add3A_354 = arith.addf %add3A_351, %mul3A_353 : vector<16xf32>
          %mul3A_355 = vector.broadcast %squeeze3A_346 : f32 to vector<16xf32>
          %mul3A_356 = arith.mulf %mul3A_355, %get3A_34 : vector<16xf32>
          %add3A_357 = arith.addf %add3A_354, %mul3A_356 : vector<16xf32>
          %mul3A_358 = vector.broadcast %squeeze3A_340 : f32 to vector<16xf32>
          %mul3A_359 = arith.mulf %mul3A_358, %get3A_9 : vector<16xf32>
          %mul3A_360 = vector.broadcast %squeeze3A_342 : f32 to vector<16xf32>
          %mul3A_361 = arith.mulf %mul3A_360, %get3A_19 : vector<16xf32>
          %add3A_362 = arith.addf %mul3A_359, %mul3A_361 : vector<16xf32>
          %mul3A_363 = vector.broadcast %squeeze3A_344 : f32 to vector<16xf32>
          %mul3A_364 = arith.mulf %mul3A_363, %get3A_29 : vector<16xf32>
          %add3A_365 = arith.addf %add3A_362, %mul3A_364 : vector<16xf32>
          %mul3A_366 = vector.broadcast %squeeze3A_346 : f32 to vector<16xf32>
          %mul3A_367 = arith.mulf %mul3A_366, %get3A_39 : vector<16xf32>
          %add3A_368 = arith.addf %add3A_365, %mul3A_367 : vector<16xf32>
          %add3A_369 = arith.constant 0 : i32
          %add3A_370 = arith.addi %mul3A_121, %add3A_369 : i32
          %add3A_371 = arith.constant 1 : i32
          %add3A_372 = arith.addi %add3A_370, %add3A_371 : i32
          %swap3A_373 = arith.index_cast %add3A_372 : i32 to index
          %swap3A_374 = arith.constant 0 : index
          %swap3A_375 = tpu.vector_load %arg8[%swap3A_373, %swap3A_374] {strides = array<i32>} : memref<1600x32xf32, #tpu.memory_space<vmem>>, vector<1x16xf32>,
          %swap3A_376 = vector.shape_cast %swap3A_375 : vector<1x16xf32> to vector<16xf32>
          %swap3A_377 = vector.shape_cast %add3A_357 : vector<16xf32> to vector<1x16xf32>
          tpu.vector_store %arg8[%swap3A_373, %swap3A_374], %swap3A_377 {strides = array<i32>} : memref<1600x32xf32, #tpu.memory_space<vmem>>, vector<1x16xf32>,
          %swap3A_378 = arith.index_cast %add3A_372 : i32 to index
          %swap3A_379 = arith.constant 16 : index
          %swap3A_380 = tpu.vector_load %arg8[%swap3A_378, %swap3A_379] {strides = array<i32>} : memref<1600x32xf32, #tpu.memory_space<vmem>>, vector<1x16xf32>,
          %swap3A_381 = vector.shape_cast %swap3A_380 : vector<1x16xf32> to vector<16xf32>
          %swap3A_382 = vector.shape_cast %add3A_368 : vector<16xf32> to vector<1x16xf32>
          tpu.vector_store %arg8[%swap3A_378, %swap3A_379], %swap3A_382 {strides = array<i32>} : memref<1600x32xf32, #tpu.memory_space<vmem>>, vector<1x16xf32>,
          %slice3A_383 = vector.extract_strided_slice %get3A_101 {offsets = [6], sizes = [1], strides = [1]} : vector<16xf32> to vector<1xf32>
          %squeeze3A_384 = vector.extract %slice3A_383[0] : f32 from vector<1xf32>
          %slice3A_385 = vector.extract_strided_slice %get3A_107 {offsets = [6], sizes = [1], strides = [1]} : vector<16xf32> to vector<1xf32>
          %squeeze3A_386 = vector.extract %slice3A_385[0] : f32 from vector<1xf32>
          %slice3A_387 = vector.extract_strided_slice %get3A_113 {offsets = [6], sizes = [1], strides = [1]} : vector<16xf32> to vector<1xf32>
          %squeeze3A_388 = vector.extract %slice3A_387[0] : f32 from vector<1xf32>
          %slice3A_389 = vector.extract_strided_slice %get3A_119 {offsets = [6], sizes = [1], strides = [1]} : vector<16xf32> to vector<1xf32>
          %squeeze3A_390 = vector.extract %slice3A_389[0] : f32 from vector<1xf32>
          %mul3A_391 = vector.broadcast %squeeze3A_384 : f32 to vector<16xf32>
          %mul3A_392 = arith.mulf %mul3A_391, %get3A_4 : vector<16xf32>
          %mul3A_393 = vector.broadcast %squeeze3A_386 : f32 to vector<16xf32>
          %mul3A_394 = arith.mulf %mul3A_393, %get3A_14 : vector<16xf32>
          %add3A_395 = arith.addf %mul3A_392, %mul3A_394 : vector<16xf32>
          %mul3A_396 = vector.broadcast %squeeze3A_388 : f32 to vector<16xf32>
          %mul3A_397 = arith.mulf %mul3A_396, %get3A_24 : vector<16xf32>
          %add3A_398 = arith.addf %add3A_395, %mul3A_397 : vector<16xf32>
          %mul3A_399 = vector.broadcast %squeeze3A_390 : f32 to vector<16xf32>
          %mul3A_400 = arith.mulf %mul3A_399, %get3A_34 : vector<16xf32>
          %add3A_401 = arith.addf %add3A_398, %mul3A_400 : vector<16xf32>
          %mul3A_402 = vector.broadcast %squeeze3A_384 : f32 to vector<16xf32>
          %mul3A_403 = arith.mulf %mul3A_402, %get3A_9 : vector<16xf32>
          %mul3A_404 = vector.broadcast %squeeze3A_386 : f32 to vector<16xf32>
          %mul3A_405 = arith.mulf %mul3A_404, %get3A_19 : vector<16xf32>
          %add3A_406 = arith.addf %mul3A_403, %mul3A_405 : vector<16xf32>
          %mul3A_407 = vector.broadcast %squeeze3A_388 : f32 to vector<16xf32>
          %mul3A_408 = arith.mulf %mul3A_407, %get3A_29 : vector<16xf32>
          %add3A_409 = arith.addf %add3A_406, %mul3A_408 : vector<16xf32>
          %mul3A_410 = vector.broadcast %squeeze3A_390 : f32 to vector<16xf32>
          %mul3A_411 = arith.mulf %mul3A_410, %get3A_39 : vector<16xf32>
          %add3A_412 = arith.addf %add3A_409, %mul3A_411 : vector<16xf32>
          %add3A_413 = arith.constant 0 : i32
          %add3A_414 = arith.addi %mul3A_121, %add3A_413 : i32
          %add3A_415 = arith.constant 2 : i32
          %add3A_416 = arith.addi %add3A_414, %add3A_415 : i32
          %swap3A_417 = arith.index_cast %add3A_416 : i32 to index
          %swap3A_418 = arith.constant 0 : index
          %swap3A_419 = tpu.vector_load %arg8[%swap3A_417, %swap3A_418] {strides = array<i32>} : memref<1600x32xf32, #tpu.memory_space<vmem>>, vector<1x16xf32>,
          %swap3A_420 = vector.shape_cast %swap3A_419 : vector<1x16xf32> to vector<16xf32>
          %swap3A_421 = vector.shape_cast %add3A_401 : vector<16xf32> to vector<1x16xf32>
          tpu.vector_store %arg8[%swap3A_417, %swap3A_418], %swap3A_421 {strides = array<i32>} : memref<1600x32xf32, #tpu.memory_space<vmem>>, vector<1x16xf32>,
          %swap3A_422 = arith.index_cast %add3A_416 : i32 to index
          %swap3A_423 = arith.constant 16 : index
          %swap3A_424 = tpu.vector_load %arg8[%swap3A_422, %swap3A_423] {strides = array<i32>} : memref<1600x32xf32, #tpu.memory_space<vmem>>, vector<1x16xf32>,
          %swap3A_425 = vector.shape_cast %swap3A_424 : vector<1x16xf32> to vector<16xf32>
          %swap3A_426 = vector.shape_cast %add3A_412 : vector<16xf32> to vector<1x16xf32>
          tpu.vector_store %arg8[%swap3A_422, %swap3A_423], %swap3A_426 {strides = array<i32>} : memref<1600x32xf32, #tpu.memory_space<vmem>>, vector<1x16xf32>,
          %slice3A_427 = vector.extract_strided_slice %get3A_101 {offsets = [7], sizes = [1], strides = [1]} : vector<16xf32> to vector<1xf32>
          %squeeze3A_428 = vector.extract %slice3A_427[0] : f32 from vector<1xf32>
          %slice3A_429 = vector.extract_strided_slice %get3A_107 {offsets = [7], sizes = [1], strides = [1]} : vector<16xf32> to vector<1xf32>
          %squeeze3A_430 = vector.extract %slice3A_429[0] : f32 from vector<1xf32>
          %slice3A_431 = vector.extract_strided_slice %get3A_113 {offsets = [7], sizes = [1], strides = [1]} : vector<16xf32> to vector<1xf32>
          %squeeze3A_432 = vector.extract %slice3A_431[0] : f32 from vector<1xf32>
          %slice3A_433 = vector.extract_strided_slice %get3A_119 {offsets = [7], sizes = [1], strides = [1]} : vector<16xf32> to vector<1xf32>
          %squeeze3A_434 = vector.extract %slice3A_433[0] : f32 from vector<1xf32>
          %mul3A_435 = vector.broadcast %squeeze3A_428 : f32 to vector<16xf32>
          %mul3A_436 = arith.mulf %mul3A_435, %get3A_4 : vector<16xf32>
          %mul3A_437 = vector.broadcast %squeeze3A_430 : f32 to vector<16xf32>
          %mul3A_438 = arith.mulf %mul3A_437, %get3A_14 : vector<16xf32>
          %add3A_439 = arith.addf %mul3A_436, %mul3A_438 : vector<16xf32>
          %mul3A_440 = vector.broadcast %squeeze3A_432 : f32 to vector<16xf32>
          %mul3A_441 = arith.mulf %mul3A_440, %get3A_24 : vector<16xf32>
          %add3A_442 = arith.addf %add3A_439, %mul3A_441 : vector<16xf32>
          %mul3A_443 = vector.broadcast %squeeze3A_434 : f32 to vector<16xf32>
          %mul3A_444 = arith.mulf %mul3A_443, %get3A_34 : vector<16xf32>
          %add3A_445 = arith.addf %add3A_442, %mul3A_444 : vector<16xf32>
          %mul3A_446 = vector.broadcast %squeeze3A_428 : f32 to vector<16xf32>
          %mul3A_447 = arith.mulf %mul3A_446, %get3A_9 : vector<16xf32>
          %mul3A_448 = vector.broadcast %squeeze3A_430 : f32 to vector<16xf32>
          %mul3A_449 = arith.mulf %mul3A_448, %get3A_19 : vector<16xf32>
          %add3A_450 = arith.addf %mul3A_447, %mul3A_449 : vector<16xf32>
          %mul3A_451 = vector.broadcast %squeeze3A_432 : f32 to vector<16xf32>
          %mul3A_452 = arith.mulf %mul3A_451, %get3A_29 : vector<16xf32>
          %add3A_453 = arith.addf %add3A_450, %mul3A_452 : vector<16xf32>
          %mul3A_454 = vector.broadcast %squeeze3A_434 : f32 to vector<16xf32>
          %mul3A_455 = arith.mulf %mul3A_454, %get3A_39 : vector<16xf32>
          %add3A_456 = arith.addf %add3A_453, %mul3A_455 : vector<16xf32>
          %add3A_457 = arith.constant 0 : i32
          %add3A_458 = arith.addi %mul3A_121, %add3A_457 : i32
          %add3A_459 = arith.constant 3 : i32
          %add3A_460 = arith.addi %add3A_458, %add3A_459 : i32
          %swap3A_461 = arith.index_cast %add3A_460 : i32 to index
          %swap3A_462 = arith.constant 0 : index
          %swap3A_463 = tpu.vector_load %arg8[%swap3A_461, %swap3A_462] {strides = array<i32>} : memref<1600x32xf32, #tpu.memory_space<vmem>>, vector<1x16xf32>,
          %swap3A_464 = vector.shape_cast %swap3A_463 : vector<1x16xf32> to vector<16xf32>
          %swap3A_465 = vector.shape_cast %add3A_445 : vector<16xf32> to vector<1x16xf32>
          tpu.vector_store %arg8[%swap3A_461, %swap3A_462], %swap3A_465 {strides = array<i32>} : memref<1600x32xf32, #tpu.memory_space<vmem>>, vector<1x16xf32>,
          %swap3A_466 = arith.index_cast %add3A_460 : i32 to index
          %swap3A_467 = arith.constant 16 : index
          %swap3A_468 = tpu.vector_load %arg8[%swap3A_466, %swap3A_467] {strides = array<i32>} : memref<1600x32xf32, #tpu.memory_space<vmem>>, vector<1x16xf32>,
          %swap3A_469 = vector.shape_cast %swap3A_468 : vector<1x16xf32> to vector<16xf32>
          %swap3A_470 = vector.shape_cast %add3A_456 : vector<16xf32> to vector<1x16xf32>
          tpu.vector_store %arg8[%swap3A_466, %swap3A_467], %swap3A_470 {strides = array<i32>} : memref<1600x32xf32, #tpu.memory_space<vmem>>, vector<1x16xf32>,
          %slice3A_471 = vector.extract_strided_slice %get3A_101 {offsets = [8], sizes = [1], strides = [1]} : vector<16xf32> to vector<1xf32>
          %squeeze3A_472 = vector.extract %slice3A_471[0] : f32 from vector<1xf32>
          %slice3A_473 = vector.extract_strided_slice %get3A_107 {offsets = [8], sizes = [1], strides = [1]} : vector<16xf32> to vector<1xf32>
          %squeeze3A_474 = vector.extract %slice3A_473[0] : f32 from vector<1xf32>
          %slice3A_475 = vector.extract_strided_slice %get3A_113 {offsets = [8], sizes = [1], strides = [1]} : vector<16xf32> to vector<1xf32>
          %squeeze3A_476 = vector.extract %slice3A_475[0] : f32 from vector<1xf32>
          %slice3A_477 = vector.extract_strided_slice %get3A_119 {offsets = [8], sizes = [1], strides = [1]} : vector<16xf32> to vector<1xf32>
          %squeeze3A_478 = vector.extract %slice3A_477[0] : f32 from vector<1xf32>
          %mul3A_479 = vector.broadcast %squeeze3A_472 : f32 to vector<16xf32>
          %mul3A_480 = arith.mulf %mul3A_479, %get3A_4 : vector<16xf32>
          %mul3A_481 = vector.broadcast %squeeze3A_474 : f32 to vector<16xf32>
          %mul3A_482 = arith.mulf %mul3A_481, %get3A_14 : vector<16xf32>
          %add3A_483 = arith.addf %mul3A_480, %mul3A_482 : vector<16xf32>
          %mul3A_484 = vector.broadcast %squeeze3A_476 : f32 to vector<16xf32>
          %mul3A_485 = arith.mulf %mul3A_484, %get3A_24 : vector<16xf32>
          %add3A_486 = arith.addf %add3A_483, %mul3A_485 : vector<16xf32>
          %mul3A_487 = vector.broadcast %squeeze3A_478 : f32 to vector<16xf32>
          %mul3A_488 = arith.mulf %mul3A_487, %get3A_34 : vector<16xf32>
          %add3A_489 = arith.addf %add3A_486, %mul3A_488 : vector<16xf32>
          %mul3A_490 = vector.broadcast %squeeze3A_472 : f32 to vector<16xf32>
          %mul3A_491 = arith.mulf %mul3A_490, %get3A_9 : vector<16xf32>
          %mul3A_492 = vector.broadcast %squeeze3A_474 : f32 to vector<16xf32>
          %mul3A_493 = arith.mulf %mul3A_492, %get3A_19 : vector<16xf32>
          %add3A_494 = arith.addf %mul3A_491, %mul3A_493 : vector<16xf32>
          %mul3A_495 = vector.broadcast %squeeze3A_476 : f32 to vector<16xf32>
          %mul3A_496 = arith.mulf %mul3A_495, %get3A_29 : vector<16xf32>
          %add3A_497 = arith.addf %add3A_494, %mul3A_496 : vector<16xf32>
          %mul3A_498 = vector.broadcast %squeeze3A_478 : f32 to vector<16xf32>
          %mul3A_499 = arith.mulf %mul3A_498, %get3A_39 : vector<16xf32>
          %add3A_500 = arith.addf %add3A_497, %mul3A_499 : vector<16xf32>
          %add3A_501 = arith.constant 4 : i32
          %add3A_502 = arith.addi %mul3A_121, %add3A_501 : i32
          %add3A_503 = arith.constant 0 : i32
          %add3A_504 = arith.addi %add3A_502, %add3A_503 : i32
          %swap3A_505 = arith.index_cast %add3A_504 : i32 to index
          %swap3A_506 = arith.constant 0 : index
          %swap3A_507 = tpu.vector_load %arg7[%swap3A_505, %swap3A_506] {strides = array<i32>} : memref<1600x32xf32, #tpu.memory_space<vmem>>, vector<1x16xf32>,
          %swap3A_508 = vector.shape_cast %swap3A_507 : vector<1x16xf32> to vector<16xf32>
          %swap3A_509 = vector.shape_cast %add3A_489 : vector<16xf32> to vector<1x16xf32>
          tpu.vector_store %arg7[%swap3A_505, %swap3A_506], %swap3A_509 {strides = array<i32>} : memref<1600x32xf32, #tpu.memory_space<vmem>>, vector<1x16xf32>,
          %swap3A_510 = arith.index_cast %add3A_504 : i32 to index
          %swap3A_511 = arith.constant 16 : index
          %swap3A_512 = tpu.vector_load %arg7[%swap3A_510, %swap3A_511] {strides = array<i32>} : memref<1600x32xf32, #tpu.memory_space<vmem>>, vector<1x16xf32>,
          %swap3A_513 = vector.shape_cast %swap3A_512 : vector<1x16xf32> to vector<16xf32>
          %swap3A_514 = vector.shape_cast %add3A_500 : vector<16xf32> to vector<1x16xf32>
          tpu.vector_store %arg7[%swap3A_510, %swap3A_511], %swap3A_514 {strides = array<i32>} : memref<1600x32xf32, #tpu.memory_space<vmem>>, vector<1x16xf32>,
          %slice3A_515 = vector.extract_strided_slice %get3A_101 {offsets = [9], sizes = [1], strides = [1]} : vector<16xf32> to vector<1xf32>
          %squeeze3A_516 = vector.extract %slice3A_515[0] : f32 from vector<1xf32>
          %slice3A_517 = vector.extract_strided_slice %get3A_107 {offsets = [9], sizes = [1], strides = [1]} : vector<16xf32> to vector<1xf32>
          %squeeze3A_518 = vector.extract %slice3A_517[0] : f32 from vector<1xf32>
          %slice3A_519 = vector.extract_strided_slice %get3A_113 {offsets = [9], sizes = [1], strides = [1]} : vector<16xf32> to vector<1xf32>
          %squeeze3A_520 = vector.extract %slice3A_519[0] : f32 from vector<1xf32>
          %slice3A_521 = vector.extract_strided_slice %get3A_119 {offsets = [9], sizes = [1], strides = [1]} : vector<16xf32> to vector<1xf32>
          %squeeze3A_522 = vector.extract %slice3A_521[0] : f32 from vector<1xf32>
          %mul3A_523 = vector.broadcast %squeeze3A_516 : f32 to vector<16xf32>
          %mul3A_524 = arith.mulf %mul3A_523, %get3A_4 : vector<16xf32>
          %mul3A_525 = vector.broadcast %squeeze3A_518 : f32 to vector<16xf32>
          %mul3A_526 = arith.mulf %mul3A_525, %get3A_14 : vector<16xf32>
          %add3A_527 = arith.addf %mul3A_524, %mul3A_526 : vector<16xf32>
          %mul3A_528 = vector.broadcast %squeeze3A_520 : f32 to vector<16xf32>
          %mul3A_529 = arith.mulf %mul3A_528, %get3A_24 : vector<16xf32>
          %add3A_530 = arith.addf %add3A_527, %mul3A_529 : vector<16xf32>
          %mul3A_531 = vector.broadcast %squeeze3A_522 : f32 to vector<16xf32>
          %mul3A_532 = arith.mulf %mul3A_531, %get3A_34 : vector<16xf32>
          %add3A_533 = arith.addf %add3A_530, %mul3A_532 : vector<16xf32>
          %mul3A_534 = vector.broadcast %squeeze3A_516 : f32 to vector<16xf32>
          %mul3A_535 = arith.mulf %mul3A_534, %get3A_9 : vector<16xf32>
          %mul3A_536 = vector.broadcast %squeeze3A_518 : f32 to vector<16xf32>
          %mul3A_537 = arith.mulf %mul3A_536, %get3A_19 : vector<16xf32>
          %add3A_538 = arith.addf %mul3A_535, %mul3A_537 : vector<16xf32>
          %mul3A_539 = vector.broadcast %squeeze3A_520 : f32 to vector<16xf32>
          %mul3A_540 = arith.mulf %mul3A_539, %get3A_29 : vector<16xf32>
          %add3A_541 = arith.addf %add3A_538, %mul3A_540 : vector<16xf32>
          %mul3A_542 = vector.broadcast %squeeze3A_522 : f32 to vector<16xf32>
          %mul3A_543 = arith.mulf %mul3A_542, %get3A_39 : vector<16xf32>
          %add3A_544 = arith.addf %add3A_541, %mul3A_543 : vector<16xf32>
          %add3A_545 = arith.constant 4 : i32
          %add3A_546 = arith.addi %mul3A_121, %add3A_545 : i32
          %add3A_547 = arith.constant 1 : i32
          %add3A_548 = arith.addi %add3A_546, %add3A_547 : i32
          %swap3A_549 = arith.index_cast %add3A_548 : i32 to index
          %swap3A_550 = arith.constant 0 : index
          %swap3A_551 = tpu.vector_load %arg7[%swap3A_549, %swap3A_550] {strides = array<i32>} : memref<1600x32xf32, #tpu.memory_space<vmem>>, vector<1x16xf32>,
          %swap3A_552 = vector.shape_cast %swap3A_551 : vector<1x16xf32> to vector<16xf32>
          %swap3A_553 = vector.shape_cast %add3A_533 : vector<16xf32> to vector<1x16xf32>
          tpu.vector_store %arg7[%swap3A_549, %swap3A_550], %swap3A_553 {strides = array<i32>} : memref<1600x32xf32, #tpu.memory_space<vmem>>, vector<1x16xf32>,
          %swap3A_554 = arith.index_cast %add3A_548 : i32 to index
          %swap3A_555 = arith.constant 16 : index
          %swap3A_556 = tpu.vector_load %arg7[%swap3A_554, %swap3A_555] {strides = array<i32>} : memref<1600x32xf32, #tpu.memory_space<vmem>>, vector<1x16xf32>,
          %swap3A_557 = vector.shape_cast %swap3A_556 : vector<1x16xf32> to vector<16xf32>
          %swap3A_558 = vector.shape_cast %add3A_544 : vector<16xf32> to vector<1x16xf32>
          tpu.vector_store %arg7[%swap3A_554, %swap3A_555], %swap3A_558 {strides = array<i32>} : memref<1600x32xf32, #tpu.memory_space<vmem>>, vector<1x16xf32>,
          %slice3A_559 = vector.extract_strided_slice %get3A_101 {offsets = [10], sizes = [1], strides = [1]} : vector<16xf32> to vector<1xf32>
          %squeeze3A_560 = vector.extract %slice3A_559[0] : f32 from vector<1xf32>
          %slice3A_561 = vector.extract_strided_slice %get3A_107 {offsets = [10], sizes = [1], strides = [1]} : vector<16xf32> to vector<1xf32>
          %squeeze3A_562 = vector.extract %slice3A_561[0] : f32 from vector<1xf32>
          %slice3A_563 = vector.extract_strided_slice %get3A_113 {offsets = [10], sizes = [1], strides = [1]} : vector<16xf32> to vector<1xf32>
          %squeeze3A_564 = vector.extract %slice3A_563[0] : f32 from vector<1xf32>
          %slice3A_565 = vector.extract_strided_slice %get3A_119 {offsets = [10], sizes = [1], strides = [1]} : vector<16xf32> to vector<1xf32>
          %squeeze3A_566 = vector.extract %slice3A_565[0] : f32 from vector<1xf32>
          %mul3A_567 = vector.broadcast %squeeze3A_560 : f32 to vector<16xf32>
          %mul3A_568 = arith.mulf %mul3A_567, %get3A_4 : vector<16xf32>
          %mul3A_569 = vector.broadcast %squeeze3A_562 : f32 to vector<16xf32>
          %mul3A_570 = arith.mulf %mul3A_569, %get3A_14 : vector<16xf32>
          %add3A_571 = arith.addf %mul3A_568, %mul3A_570 : vector<16xf32>
          %mul3A_572 = vector.broadcast %squeeze3A_564 : f32 to vector<16xf32>
          %mul3A_573 = arith.mulf %mul3A_572, %get3A_24 : vector<16xf32>
          %add3A_574 = arith.addf %add3A_571, %mul3A_573 : vector<16xf32>
          %mul3A_575 = vector.broadcast %squeeze3A_566 : f32 to vector<16xf32>
          %mul3A_576 = arith.mulf %mul3A_575, %get3A_34 : vector<16xf32>
          %add3A_577 = arith.addf %add3A_574, %mul3A_576 : vector<16xf32>
          %mul3A_578 = vector.broadcast %squeeze3A_560 : f32 to vector<16xf32>
          %mul3A_579 = arith.mulf %mul3A_578, %get3A_9 : vector<16xf32>
          %mul3A_580 = vector.broadcast %squeeze3A_562 : f32 to vector<16xf32>
          %mul3A_581 = arith.mulf %mul3A_580, %get3A_19 : vector<16xf32>
          %add3A_582 = arith.addf %mul3A_579, %mul3A_581 : vector<16xf32>
          %mul3A_583 = vector.broadcast %squeeze3A_564 : f32 to vector<16xf32>
          %mul3A_584 = arith.mulf %mul3A_583, %get3A_29 : vector<16xf32>
          %add3A_585 = arith.addf %add3A_582, %mul3A_584 : vector<16xf32>
          %mul3A_586 = vector.broadcast %squeeze3A_566 : f32 to vector<16xf32>
          %mul3A_587 = arith.mulf %mul3A_586, %get3A_39 : vector<16xf32>
          %add3A_588 = arith.addf %add3A_585, %mul3A_587 : vector<16xf32>
          %add3A_589 = arith.constant 4 : i32
          %add3A_590 = arith.addi %mul3A_121, %add3A_589 : i32
          %add3A_591 = arith.constant 2 : i32
          %add3A_592 = arith.addi %add3A_590, %add3A_591 : i32
          %swap3A_593 = arith.index_cast %add3A_592 : i32 to index
          %swap3A_594 = arith.constant 0 : index
          %swap3A_595 = tpu.vector_load %arg7[%swap3A_593, %swap3A_594] {strides = array<i32>} : memref<1600x32xf32, #tpu.memory_space<vmem>>, vector<1x16xf32>,
          %swap3A_596 = vector.shape_cast %swap3A_595 : vector<1x16xf32> to vector<16xf32>
          %swap3A_597 = vector.shape_cast %add3A_577 : vector<16xf32> to vector<1x16xf32>
          tpu.vector_store %arg7[%swap3A_593, %swap3A_594], %swap3A_597 {strides = array<i32>} : memref<1600x32xf32, #tpu.memory_space<vmem>>, vector<1x16xf32>,
          %swap3A_598 = arith.index_cast %add3A_592 : i32 to index
          %swap3A_599 = arith.constant 16 : index
          %swap3A_600 = tpu.vector_load %arg7[%swap3A_598, %swap3A_599] {strides = array<i32>} : memref<1600x32xf32, #tpu.memory_space<vmem>>, vector<1x16xf32>,
          %swap3A_601 = vector.shape_cast %swap3A_600 : vector<1x16xf32> to vector<16xf32>
          %swap3A_602 = vector.shape_cast %add3A_588 : vector<16xf32> to vector<1x16xf32>
          tpu.vector_store %arg7[%swap3A_598, %swap3A_599], %swap3A_602 {strides = array<i32>} : memref<1600x32xf32, #tpu.memory_space<vmem>>, vector<1x16xf32>,
          %slice3A_603 = vector.extract_strided_slice %get3A_101 {offsets = [11], sizes = [1], strides = [1]} : vector<16xf32> to vector<1xf32>
          %squeeze3A_604 = vector.extract %slice3A_603[0] : f32 from vector<1xf32>
          %slice3A_605 = vector.extract_strided_slice %get3A_107 {offsets = [11], sizes = [1], strides = [1]} : vector<16xf32> to vector<1xf32>
          %squeeze3A_606 = vector.extract %slice3A_605[0] : f32 from vector<1xf32>
          %slice3A_607 = vector.extract_strided_slice %get3A_113 {offsets = [11], sizes = [1], strides = [1]} : vector<16xf32> to vector<1xf32>
          %squeeze3A_608 = vector.extract %slice3A_607[0] : f32 from vector<1xf32>
          %slice3A_609 = vector.extract_strided_slice %get3A_119 {offsets = [11], sizes = [1], strides = [1]} : vector<16xf32> to vector<1xf32>
          %squeeze3A_610 = vector.extract %slice3A_609[0] : f32 from vector<1xf32>
          %mul3A_611 = vector.broadcast %squeeze3A_604 : f32 to vector<16xf32>
          %mul3A_612 = arith.mulf %mul3A_611, %get3A_4 : vector<16xf32>
          %mul3A_613 = vector.broadcast %squeeze3A_606 : f32 to vector<16xf32>
          %mul3A_614 = arith.mulf %mul3A_613, %get3A_14 : vector<16xf32>
          %add3A_615 = arith.addf %mul3A_612, %mul3A_614 : vector<16xf32>
          %mul3A_616 = vector.broadcast %squeeze3A_608 : f32 to vector<16xf32>
          %mul3A_617 = arith.mulf %mul3A_616, %get3A_24 : vector<16xf32>
          %add3A_618 = arith.addf %add3A_615, %mul3A_617 : vector<16xf32>
          %mul3A_619 = vector.broadcast %squeeze3A_610 : f32 to vector<16xf32>
          %mul3A_620 = arith.mulf %mul3A_619, %get3A_34 : vector<16xf32>
          %add3A_621 = arith.addf %add3A_618, %mul3A_620 : vector<16xf32>
          %mul3A_622 = vector.broadcast %squeeze3A_604 : f32 to vector<16xf32>
          %mul3A_623 = arith.mulf %mul3A_622, %get3A_9 : vector<16xf32>
          %mul3A_624 = vector.broadcast %squeeze3A_606 : f32 to vector<16xf32>
          %mul3A_625 = arith.mulf %mul3A_624, %get3A_19 : vector<16xf32>
          %add3A_626 = arith.addf %mul3A_623, %mul3A_625 : vector<16xf32>
          %mul3A_627 = vector.broadcast %squeeze3A_608 : f32 to vector<16xf32>
          %mul3A_628 = arith.mulf %mul3A_627, %get3A_29 : vector<16xf32>
          %add3A_629 = arith.addf %add3A_626, %mul3A_628 : vector<16xf32>
          %mul3A_630 = vector.broadcast %squeeze3A_610 : f32 to vector<16xf32>
          %mul3A_631 = arith.mulf %mul3A_630, %get3A_39 : vector<16xf32>
          %add3A_632 = arith.addf %add3A_629, %mul3A_631 : vector<16xf32>
          %add3A_633 = arith.constant 4 : i32
          %add3A_634 = arith.addi %mul3A_121, %add3A_633 : i32
          %add3A_635 = arith.constant 3 : i32
          %add3A_636 = arith.addi %add3A_634, %add3A_635 : i32
          %swap3A_637 = arith.index_cast %add3A_636 : i32 to index
          %swap3A_638 = arith.constant 0 : index
          %swap3A_639 = tpu.vector_load %arg7[%swap3A_637, %swap3A_638] {strides = array<i32>} : memref<1600x32xf32, #tpu.memory_space<vmem>>, vector<1x16xf32>,
          %swap3A_640 = vector.shape_cast %swap3A_639 : vector<1x16xf32> to vector<16xf32>
          %swap3A_641 = vector.shape_cast %add3A_621 : vector<16xf32> to vector<1x16xf32>
          tpu.vector_store %arg7[%swap3A_637, %swap3A_638], %swap3A_641 {strides = array<i32>} : memref<1600x32xf32, #tpu.memory_space<vmem>>, vector<1x16xf32>,
          %swap3A_642 = arith.index_cast %add3A_636 : i32 to index
          %swap3A_643 = arith.constant 16 : index
          %swap3A_644 = tpu.vector_load %arg7[%swap3A_642, %swap3A_643] {strides = array<i32>} : memref<1600x32xf32, #tpu.memory_space<vmem>>, vector<1x16xf32>,
          %swap3A_645 = vector.shape_cast %swap3A_644 : vector<1x16xf32> to vector<16xf32>
          %swap3A_646 = vector.shape_cast %add3A_632 : vector<16xf32> to vector<1x16xf32>
          tpu.vector_store %arg7[%swap3A_642, %swap3A_643], %swap3A_646 {strides = array<i32>} : memref<1600x32xf32, #tpu.memory_space<vmem>>, vector<1x16xf32>,
          %slice3A_647 = vector.extract_strided_slice %get3A_101 {offsets = [12], sizes = [1], strides = [1]} : vector<16xf32> to vector<1xf32>
          %squeeze3A_648 = vector.extract %slice3A_647[0] : f32 from vector<1xf32>
          %slice3A_649 = vector.extract_strided_slice %get3A_107 {offsets = [12], sizes = [1], strides = [1]} : vector<16xf32> to vector<1xf32>
          %squeeze3A_650 = vector.extract %slice3A_649[0] : f32 from vector<1xf32>
          %slice3A_651 = vector.extract_strided_slice %get3A_113 {offsets = [12], sizes = [1], strides = [1]} : vector<16xf32> to vector<1xf32>
          %squeeze3A_652 = vector.extract %slice3A_651[0] : f32 from vector<1xf32>
          %slice3A_653 = vector.extract_strided_slice %get3A_119 {offsets = [12], sizes = [1], strides = [1]} : vector<16xf32> to vector<1xf32>
          %squeeze3A_654 = vector.extract %slice3A_653[0] : f32 from vector<1xf32>
          %mul3A_655 = vector.broadcast %squeeze3A_648 : f32 to vector<16xf32>
          %mul3A_656 = arith.mulf %mul3A_655, %get3A_4 : vector<16xf32>
          %mul3A_657 = vector.broadcast %squeeze3A_650 : f32 to vector<16xf32>
          %mul3A_658 = arith.mulf %mul3A_657, %get3A_14 : vector<16xf32>
          %add3A_659 = arith.addf %mul3A_656, %mul3A_658 : vector<16xf32>
          %mul3A_660 = vector.broadcast %squeeze3A_652 : f32 to vector<16xf32>
          %mul3A_661 = arith.mulf %mul3A_660, %get3A_24 : vector<16xf32>
          %add3A_662 = arith.addf %add3A_659, %mul3A_661 : vector<16xf32>
          %mul3A_663 = vector.broadcast %squeeze3A_654 : f32 to vector<16xf32>
          %mul3A_664 = arith.mulf %mul3A_663, %get3A_34 : vector<16xf32>
          %add3A_665 = arith.addf %add3A_662, %mul3A_664 : vector<16xf32>
          %mul3A_666 = vector.broadcast %squeeze3A_648 : f32 to vector<16xf32>
          %mul3A_667 = arith.mulf %mul3A_666, %get3A_9 : vector<16xf32>
          %mul3A_668 = vector.broadcast %squeeze3A_650 : f32 to vector<16xf32>
          %mul3A_669 = arith.mulf %mul3A_668, %get3A_19 : vector<16xf32>
          %add3A_670 = arith.addf %mul3A_667, %mul3A_669 : vector<16xf32>
          %mul3A_671 = vector.broadcast %squeeze3A_652 : f32 to vector<16xf32>
          %mul3A_672 = arith.mulf %mul3A_671, %get3A_29 : vector<16xf32>
          %add3A_673 = arith.addf %add3A_670, %mul3A_672 : vector<16xf32>
          %mul3A_674 = vector.broadcast %squeeze3A_654 : f32 to vector<16xf32>
          %mul3A_675 = arith.mulf %mul3A_674, %get3A_39 : vector<16xf32>
          %add3A_676 = arith.addf %add3A_673, %mul3A_675 : vector<16xf32>
          %add3A_677 = arith.constant 4 : i32
          %add3A_678 = arith.addi %mul3A_121, %add3A_677 : i32
          %add3A_679 = arith.constant 0 : i32
          %add3A_680 = arith.addi %add3A_678, %add3A_679 : i32
          %swap3A_681 = arith.index_cast %add3A_680 : i32 to index
          %swap3A_682 = arith.constant 0 : index
          %swap3A_683 = tpu.vector_load %arg8[%swap3A_681, %swap3A_682] {strides = array<i32>} : memref<1600x32xf32, #tpu.memory_space<vmem>>, vector<1x16xf32>,
          %swap3A_684 = vector.shape_cast %swap3A_683 : vector<1x16xf32> to vector<16xf32>
          %swap3A_685 = vector.shape_cast %add3A_665 : vector<16xf32> to vector<1x16xf32>
          tpu.vector_store %arg8[%swap3A_681, %swap3A_682], %swap3A_685 {strides = array<i32>} : memref<1600x32xf32, #tpu.memory_space<vmem>>, vector<1x16xf32>,
          %swap3A_686 = arith.index_cast %add3A_680 : i32 to index
          %swap3A_687 = arith.constant 16 : index
          %swap3A_688 = tpu.vector_load %arg8[%swap3A_686, %swap3A_687] {strides = array<i32>} : memref<1600x32xf32, #tpu.memory_space<vmem>>, vector<1x16xf32>,
          %swap3A_689 = vector.shape_cast %swap3A_688 : vector<1x16xf32> to vector<16xf32>
          %swap3A_690 = vector.shape_cast %add3A_676 : vector<16xf32> to vector<1x16xf32>
          tpu.vector_store %arg8[%swap3A_686, %swap3A_687], %swap3A_690 {strides = array<i32>} : memref<1600x32xf32, #tpu.memory_space<vmem>>, vector<1x16xf32>,
          %slice3A_691 = vector.extract_strided_slice %get3A_101 {offsets = [13], sizes = [1], strides = [1]} : vector<16xf32> to vector<1xf32>
          %squeeze3A_692 = vector.extract %slice3A_691[0] : f32 from vector<1xf32>
          %slice3A_693 = vector.extract_strided_slice %get3A_107 {offsets = [13], sizes = [1], strides = [1]} : vector<16xf32> to vector<1xf32>
          %squeeze3A_694 = vector.extract %slice3A_693[0] : f32 from vector<1xf32>
          %slice3A_695 = vector.extract_strided_slice %get3A_113 {offsets = [13], sizes = [1], strides = [1]} : vector<16xf32> to vector<1xf32>
          %squeeze3A_696 = vector.extract %slice3A_695[0] : f32 from vector<1xf32>
          %slice3A_697 = vector.extract_strided_slice %get3A_119 {offsets = [13], sizes = [1], strides = [1]} : vector<16xf32> to vector<1xf32>
          %squeeze3A_698 = vector.extract %slice3A_697[0] : f32 from vector<1xf32>
          %mul3A_699 = vector.broadcast %squeeze3A_692 : f32 to vector<16xf32>
          %mul3A_700 = arith.mulf %mul3A_699, %get3A_4 : vector<16xf32>
          %mul3A_701 = vector.broadcast %squeeze3A_694 : f32 to vector<16xf32>
          %mul3A_702 = arith.mulf %mul3A_701, %get3A_14 : vector<16xf32>
          %add3A_703 = arith.addf %mul3A_700, %mul3A_702 : vector<16xf32>
          %mul3A_704 = vector.broadcast %squeeze3A_696 : f32 to vector<16xf32>
          %mul3A_705 = arith.mulf %mul3A_704, %get3A_24 : vector<16xf32>
          %add3A_706 = arith.addf %add3A_703, %mul3A_705 : vector<16xf32>
          %mul3A_707 = vector.broadcast %squeeze3A_698 : f32 to vector<16xf32>
          %mul3A_708 = arith.mulf %mul3A_707, %get3A_34 : vector<16xf32>
          %add3A_709 = arith.addf %add3A_706, %mul3A_708 : vector<16xf32>
          %mul3A_710 = vector.broadcast %squeeze3A_692 : f32 to vector<16xf32>
          %mul3A_711 = arith.mulf %mul3A_710, %get3A_9 : vector<16xf32>
          %mul3A_712 = vector.broadcast %squeeze3A_694 : f32 to vector<16xf32>
          %mul3A_713 = arith.mulf %mul3A_712, %get3A_19 : vector<16xf32>
          %add3A_714 = arith.addf %mul3A_711, %mul3A_713 : vector<16xf32>
          %mul3A_715 = vector.broadcast %squeeze3A_696 : f32 to vector<16xf32>
          %mul3A_716 = arith.mulf %mul3A_715, %get3A_29 : vector<16xf32>
          %add3A_717 = arith.addf %add3A_714, %mul3A_716 : vector<16xf32>
          %mul3A_718 = vector.broadcast %squeeze3A_698 : f32 to vector<16xf32>
          %mul3A_719 = arith.mulf %mul3A_718, %get3A_39 : vector<16xf32>
          %add3A_720 = arith.addf %add3A_717, %mul3A_719 : vector<16xf32>
          %add3A_721 = arith.constant 4 : i32
          %add3A_722 = arith.addi %mul3A_121, %add3A_721 : i32
          %add3A_723 = arith.constant 1 : i32
          %add3A_724 = arith.addi %add3A_722, %add3A_723 : i32
          %swap3A_725 = arith.index_cast %add3A_724 : i32 to index
          %swap3A_726 = arith.constant 0 : index
          %swap3A_727 = tpu.vector_load %arg8[%swap3A_725, %swap3A_726] {strides = array<i32>} : memref<1600x32xf32, #tpu.memory_space<vmem>>, vector<1x16xf32>,
          %swap3A_728 = vector.shape_cast %swap3A_727 : vector<1x16xf32> to vector<16xf32>
          %swap3A_729 = vector.shape_cast %add3A_709 : vector<16xf32> to vector<1x16xf32>
          tpu.vector_store %arg8[%swap3A_725, %swap3A_726], %swap3A_729 {strides = array<i32>} : memref<1600x32xf32, #tpu.memory_space<vmem>>, vector<1x16xf32>,
          %swap3A_730 = arith.index_cast %add3A_724 : i32 to index
          %swap3A_731 = arith.constant 16 : index
          %swap3A_732 = tpu.vector_load %arg8[%swap3A_730, %swap3A_731] {strides = array<i32>} : memref<1600x32xf32, #tpu.memory_space<vmem>>, vector<1x16xf32>,
          %swap3A_733 = vector.shape_cast %swap3A_732 : vector<1x16xf32> to vector<16xf32>
          %swap3A_734 = vector.shape_cast %add3A_720 : vector<16xf32> to vector<1x16xf32>
          tpu.vector_store %arg8[%swap3A_730, %swap3A_731], %swap3A_734 {strides = array<i32>} : memref<1600x32xf32, #tpu.memory_space<vmem>>, vector<1x16xf32>,
          %slice3A_735 = vector.extract_strided_slice %get3A_101 {offsets = [14], sizes = [1], strides = [1]} : vector<16xf32> to vector<1xf32>
          %squeeze3A_736 = vector.extract %slice3A_735[0] : f32 from vector<1xf32>
          %slice3A_737 = vector.extract_strided_slice %get3A_107 {offsets = [14], sizes = [1], strides = [1]} : vector<16xf32> to vector<1xf32>
          %squeeze3A_738 = vector.extract %slice3A_737[0] : f32 from vector<1xf32>
          %slice3A_739 = vector.extract_strided_slice %get3A_113 {offsets = [14], sizes = [1], strides = [1]} : vector<16xf32> to vector<1xf32>
          %squeeze3A_740 = vector.extract %slice3A_739[0] : f32 from vector<1xf32>
          %slice3A_741 = vector.extract_strided_slice %get3A_119 {offsets = [14], sizes = [1], strides = [1]} : vector<16xf32> to vector<1xf32>
          %squeeze3A_742 = vector.extract %slice3A_741[0] : f32 from vector<1xf32>
          %mul3A_743 = vector.broadcast %squeeze3A_736 : f32 to vector<16xf32>
          %mul3A_744 = arith.mulf %mul3A_743, %get3A_4 : vector<16xf32>
          %mul3A_745 = vector.broadcast %squeeze3A_738 : f32 to vector<16xf32>
          %mul3A_746 = arith.mulf %mul3A_745, %get3A_14 : vector<16xf32>
          %add3A_747 = arith.addf %mul3A_744, %mul3A_746 : vector<16xf32>
          %mul3A_748 = vector.broadcast %squeeze3A_740 : f32 to vector<16xf32>
          %mul3A_749 = arith.mulf %mul3A_748, %get3A_24 : vector<16xf32>
          %add3A_750 = arith.addf %add3A_747, %mul3A_749 : vector<16xf32>
          %mul3A_751 = vector.broadcast %squeeze3A_742 : f32 to vector<16xf32>
          %mul3A_752 = arith.mulf %mul3A_751, %get3A_34 : vector<16xf32>
          %add3A_753 = arith.addf %add3A_750, %mul3A_752 : vector<16xf32>
          %mul3A_754 = vector.broadcast %squeeze3A_736 : f32 to vector<16xf32>
          %mul3A_755 = arith.mulf %mul3A_754, %get3A_9 : vector<16xf32>
          %mul3A_756 = vector.broadcast %squeeze3A_738 : f32 to vector<16xf32>
          %mul3A_757 = arith.mulf %mul3A_756, %get3A_19 : vector<16xf32>
          %add3A_758 = arith.addf %mul3A_755, %mul3A_757 : vector<16xf32>
          %mul3A_759 = vector.broadcast %squeeze3A_740 : f32 to vector<16xf32>
          %mul3A_760 = arith.mulf %mul3A_759, %get3A_29 : vector<16xf32>
          %add3A_761 = arith.addf %add3A_758, %mul3A_760 : vector<16xf32>
          %mul3A_762 = vector.broadcast %squeeze3A_742 : f32 to vector<16xf32>
          %mul3A_763 = arith.mulf %mul3A_762, %get3A_39 : vector<16xf32>
          %add3A_764 = arith.addf %add3A_761, %mul3A_763 : vector<16xf32>
          %add3A_765 = arith.constant 4 : i32
          %add3A_766 = arith.addi %mul3A_121, %add3A_765 : i32
          %add3A_767 = arith.constant 2 : i32
          %add3A_768 = arith.addi %add3A_766, %add3A_767 : i32
          %swap3A_769 = arith.index_cast %add3A_768 : i32 to index
          %swap3A_770 = arith.constant 0 : index
          %swap3A_771 = tpu.vector_load %arg8[%swap3A_769, %swap3A_770] {strides = array<i32>} : memref<1600x32xf32, #tpu.memory_space<vmem>>, vector<1x16xf32>,
          %swap3A_772 = vector.shape_cast %swap3A_771 : vector<1x16xf32> to vector<16xf32>
          %swap3A_773 = vector.shape_cast %add3A_753 : vector<16xf32> to vector<1x16xf32>
          tpu.vector_store %arg8[%swap3A_769, %swap3A_770], %swap3A_773 {strides = array<i32>} : memref<1600x32xf32, #tpu.memory_space<vmem>>, vector<1x16xf32>,
          %swap3A_774 = arith.index_cast %add3A_768 : i32 to index
          %swap3A_775 = arith.constant 16 : index
          %swap3A_776 = tpu.vector_load %arg8[%swap3A_774, %swap3A_775] {strides = array<i32>} : memref<1600x32xf32, #tpu.memory_space<vmem>>, vector<1x16xf32>,
          %swap3A_777 = vector.shape_cast %swap3A_776 : vector<1x16xf32> to vector<16xf32>
          %swap3A_778 = vector.shape_cast %add3A_764 : vector<16xf32> to vector<1x16xf32>
          tpu.vector_store %arg8[%swap3A_774, %swap3A_775], %swap3A_778 {strides = array<i32>} : memref<1600x32xf32, #tpu.memory_space<vmem>>, vector<1x16xf32>,
          %slice3A_779 = vector.extract_strided_slice %get3A_101 {offsets = [15], sizes = [1], strides = [1]} : vector<16xf32> to vector<1xf32>
          %squeeze3A_780 = vector.extract %slice3A_779[0] : f32 from vector<1xf32>
          %slice3A_781 = vector.extract_strided_slice %get3A_107 {offsets = [15], sizes = [1], strides = [1]} : vector<16xf32> to vector<1xf32>
          %squeeze3A_782 = vector.extract %slice3A_781[0] : f32 from vector<1xf32>
          %slice3A_783 = vector.extract_strided_slice %get3A_113 {offsets = [15], sizes = [1], strides = [1]} : vector<16xf32> to vector<1xf32>
          %squeeze3A_784 = vector.extract %slice3A_783[0] : f32 from vector<1xf32>
          %slice3A_785 = vector.extract_strided_slice %get3A_119 {offsets = [15], sizes = [1], strides = [1]} : vector<16xf32> to vector<1xf32>
          %squeeze3A_786 = vector.extract %slice3A_785[0] : f32 from vector<1xf32>
          %mul3A_787 = vector.broadcast %squeeze3A_780 : f32 to vector<16xf32>
          %mul3A_788 = arith.mulf %mul3A_787, %get3A_4 : vector<16xf32>
          %mul3A_789 = vector.broadcast %squeeze3A_782 : f32 to vector<16xf32>
          %mul3A_790 = arith.mulf %mul3A_789, %get3A_14 : vector<16xf32>
          %add3A_791 = arith.addf %mul3A_788, %mul3A_790 : vector<16xf32>
          %mul3A_792 = vector.broadcast %squeeze3A_784 : f32 to vector<16xf32>
          %mul3A_793 = arith.mulf %mul3A_792, %get3A_24 : vector<16xf32>
          %add3A_794 = arith.addf %add3A_791, %mul3A_793 : vector<16xf32>
          %mul3A_795 = vector.broadcast %squeeze3A_786 : f32 to vector<16xf32>
          %mul3A_796 = arith.mulf %mul3A_795, %get3A_34 : vector<16xf32>
          %add3A_797 = arith.addf %add3A_794, %mul3A_796 : vector<16xf32>
          %mul3A_798 = vector.broadcast %squeeze3A_780 : f32 to vector<16xf32>
          %mul3A_799 = arith.mulf %mul3A_798, %get3A_9 : vector<16xf32>
          %mul3A_800 = vector.broadcast %squeeze3A_782 : f32 to vector<16xf32>
          %mul3A_801 = arith.mulf %mul3A_800, %get3A_19 : vector<16xf32>
          %add3A_802 = arith.addf %mul3A_799, %mul3A_801 : vector<16xf32>
          %mul3A_803 = vector.broadcast %squeeze3A_784 : f32 to vector<16xf32>
          %mul3A_804 = arith.mulf %mul3A_803, %get3A_29 : vector<16xf32>
          %add3A_805 = arith.addf %add3A_802, %mul3A_804 : vector<16xf32>
          %mul3A_806 = vector.broadcast %squeeze3A_786 : f32 to vector<16xf32>
          %mul3A_807 = arith.mulf %mul3A_806, %get3A_39 : vector<16xf32>
          %add3A_808 = arith.addf %add3A_805, %mul3A_807 : vector<16xf32>
          %add3A_809 = arith.constant 4 : i32
          %add3A_810 = arith.addi %mul3A_121, %add3A_809 : i32
          %add3A_811 = arith.constant 3 : i32
          %add3A_812 = arith.addi %add3A_810, %add3A_811 : i32
          %swap3A_813 = arith.index_cast %add3A_812 : i32 to index
          %swap3A_814 = arith.constant 0 : index
          %swap3A_815 = tpu.vector_load %arg8[%swap3A_813, %swap3A_814] {strides = array<i32>} : memref<1600x32xf32, #tpu.memory_space<vmem>>, vector<1x16xf32>,
          %swap3A_816 = vector.shape_cast %swap3A_815 : vector<1x16xf32> to vector<16xf32>
          %swap3A_817 = vector.shape_cast %add3A_797 : vector<16xf32> to vector<1x16xf32>
          tpu.vector_store %arg8[%swap3A_813, %swap3A_814], %swap3A_817 {strides = array<i32>} : memref<1600x32xf32, #tpu.memory_space<vmem>>, vector<1x16xf32>,
          %swap3A_818 = arith.index_cast %add3A_812 : i32 to index
          %swap3A_819 = arith.constant 16 : index
          %swap3A_820 = tpu.vector_load %arg8[%swap3A_818, %swap3A_819] {strides = array<i32>} : memref<1600x32xf32, #tpu.memory_space<vmem>>, vector<1x16xf32>,
          %swap3A_821 = vector.shape_cast %swap3A_820 : vector<1x16xf32> to vector<16xf32>
          %swap3A_822 = vector.shape_cast %add3A_808 : vector<16xf32> to vector<1x16xf32>
          tpu.vector_store %arg8[%swap3A_818, %swap3A_819], %swap3A_822 {strides = array<i32>} : memref<1600x32xf32, #tpu.memory_space<vmem>>, vector<1x16xf32>,
        }
        %scan3A_57 = arith.constant 200 : i32
        %mul3A_58 = arith.constant 1600 : i32
        %mul3A_59 = arith.muli %add3A_48, %mul3A_58 : i32
        "tpu.region"() ({
          %run_scoped3A = tpu.sem_alloc : memref<!tpu.dma_semaphore, #tpu.memory_space<semaphore_mem>>
          %dma_start3A = arith.constant 0 : i32
          %dma_start3A_62 = tpu.memref_slice %arg4[%mul3A_59, %dma_start3A] : memref<800000x32xf32, #tpu.memory_space<hbm>> -> memref<1600x32xf32, #tpu.memory_space<hbm>>
          %dma_start3A_63 = arith.constant 0 : i32
          %dma_start3A_64 = tpu.memref_slice %arg4[%mul3A_59, %dma_start3A_63] : memref<800000x32xf32, #tpu.memory_space<hbm>> -> memref<1600x32xf32, #tpu.memory_space<hbm>>
          tpu.enqueue_dma source(%arg7 : memref<1600x32xf32, #tpu.memory_space<vmem>>) target(%dma_start3A_64 : memref<1600x32xf32, #tpu.memory_space<hbm>>) target_semaphore(%run_scoped3A : memref<!tpu.dma_semaphore, #tpu.memory_space<semaphore_mem>>)
          %dma_wait3A = arith.constant 0 : i32
          %dma_wait3A_65 = tpu.memref_slice %arg4[%mul3A_59, %dma_wait3A] : memref<800000x32xf32, #tpu.memory_space<hbm>> -> memref<1600x32xf32, #tpu.memory_space<hbm>>
          %dma_wait3A_66 = arith.constant 0 : i32
          %dma_wait3A_67 = tpu.memref_slice %arg4[%mul3A_59, %dma_wait3A_66] : memref<800000x32xf32, #tpu.memory_space<hbm>> -> memref<1600x32xf32, #tpu.memory_space<hbm>>
          tpu.wait_dma2 semaphore(%run_scoped3A : memref<!tpu.dma_semaphore, #tpu.memory_space<semaphore_mem>>) src(%arg7 : memref<1600x32xf32, #tpu.memory_space<vmem>>) dst(%dma_wait3A_67 : memref<1600x32xf32, #tpu.memory_space<hbm>>)
          tpu.yield
        }) : () -> ()
        %mul3A_60 = arith.constant 1600 : i32
        %mul3A_61 = arith.muli %add3A_48, %mul3A_60 : i32
        "tpu.region"() ({
          %run_scoped3A = tpu.sem_alloc : memref<!tpu.dma_semaphore, #tpu.memory_space<semaphore_mem>>
          %dma_start3A = arith.constant 0 : i32
          %dma_start3A_62 = tpu.memref_slice %arg5[%mul3A_61, %dma_start3A] : memref<800000x32xf32, #tpu.memory_space<hbm>> -> memref<1600x32xf32, #tpu.memory_space<hbm>>
          %dma_start3A_63 = arith.constant 0 : i32
          %dma_start3A_64 = tpu.memref_slice %arg5[%mul3A_61, %dma_start3A_63] : memref<800000x32xf32, #tpu.memory_space<hbm>> -> memref<1600x32xf32, #tpu.memory_space<hbm>>
          tpu.enqueue_dma source(%arg8 : memref<1600x32xf32, #tpu.memory_space<vmem>>) target(%dma_start3A_64 : memref<1600x32xf32, #tpu.memory_space<hbm>>) target_semaphore(%run_scoped3A : memref<!tpu.dma_semaphore, #tpu.memory_space<semaphore_mem>>)
          %dma_wait3A = arith.constant 0 : i32
          %dma_wait3A_65 = tpu.memref_slice %arg5[%mul3A_61, %dma_wait3A] : memref<800000x32xf32, #tpu.memory_space<hbm>> -> memref<1600x32xf32, #tpu.memory_space<hbm>>
          %dma_wait3A_66 = arith.constant 0 : i32
          %dma_wait3A_67 = tpu.memref_slice %arg5[%mul3A_61, %dma_wait3A_66] : memref<800000x32xf32, #tpu.memory_space<hbm>> -> memref<1600x32xf32, #tpu.memory_space<hbm>>
          tpu.wait_dma2 semaphore(%run_scoped3A : memref<!tpu.dma_semaphore, #tpu.memory_space<semaphore_mem>>) src(%arg8 : memref<1600x32xf32, #tpu.memory_space<vmem>>) dst(%dma_wait3A_67 : memref<1600x32xf32, #tpu.memory_space<hbm>>)
          tpu.yield
        }) : () -> ()
      } else {
      }
    }
    %scan3A_44 = arith.constant 16 : i32
    return
  }
}

#map = affine_map<(d0, d1) -> (0, 0)>
#map1 = affine_map<(d0, d1) -> (0)>
module attributes {stable_mosaic.version = 14 : i64} {
  func.func @_scatter_body(%arg0: i32, %arg1: i32, %arg2: memref<50000x32xf32, #tpu.memory_space<hbm>>, %arg3: memref<800000x32xf32, #tpu.memory_space<hbm>>, %arg4: memref<800000x32xf32, #tpu.memory_space<hbm>>, %arg5: memref<800000xi32, #tpu.memory_space<hbm>>, %arg6: memref<800000xi32, #tpu.memory_space<hbm>>, %arg7: memref<100000x32xf32, #tpu.memory_space<hbm>>, %arg8: memref<200xi32, #tpu.memory_space<vmem>>, %arg9: memref<200x32xf32, #tpu.memory_space<vmem>>, %arg10: memref<50000x32xf32, #tpu.memory_space<vmem_shared>>) attributes {dimension_semantics = [#tpu.dimension_semantics<core_parallel>, #tpu.dimension_semantics<subcore_parallel>], iteration_bounds = array<i64: 2, 16>, scalar_prefetch = 0 : i64, scratch_operands = 3 : i64, tpu.core_type = #tpu.core_type<sc_vector_subcore>, window_params = [{transform_indices = #map}, {transform_indices = #map}, {transform_indices = #map}, {transform_indices = #map1}, {transform_indices = #map1}, {transform_indices = #map}]} {
    %mul3A = arith.constant 2 : i32
    %mul3A_0 = arith.muli %arg1, %mul3A : i32
    %add3A = arith.addi %mul3A_0, %arg0 : i32
    %mul3A_1 = arith.constant 3125 : i32
    %mul3A_2 = arith.muli %arg1, %mul3A_1 : i32
    %mul3A_3 = arith.constant 3125 : i32
    %mul3A_4 = arith.muli %arg1, %mul3A_3 : i32
    "tpu.region"() ({
      %run_scoped3A = tpu.sem_alloc : memref<!tpu.dma_semaphore, #tpu.memory_space<semaphore_mem>>
      %dma_start3A = arith.constant 0 : i32
      %dma_start3A_24 = tpu.memref_slice %arg10[%mul3A_4, %dma_start3A] : memref<50000x32xf32, #tpu.memory_space<vmem_shared>> -> memref<3125x32xf32, #tpu.memory_space<vmem_shared>>
      %dma_start3A_25 = arith.constant 0 : i32
      %dma_start3A_26 = tpu.memref_slice %arg2[%mul3A_2, %dma_start3A_25] : memref<50000x32xf32, #tpu.memory_space<hbm>> -> memref<3125x32xf32, #tpu.memory_space<hbm>>
      tpu.enqueue_dma source(%dma_start3A_26 : memref<3125x32xf32, #tpu.memory_space<hbm>>) target(%dma_start3A_24 : memref<3125x32xf32, #tpu.memory_space<vmem_shared>>) target_semaphore(%run_scoped3A : memref<!tpu.dma_semaphore, #tpu.memory_space<semaphore_mem>>)
      %dma_wait3A = arith.constant 0 : i32
      %dma_wait3A_27 = tpu.memref_slice %arg10[%mul3A_4, %dma_wait3A] : memref<50000x32xf32, #tpu.memory_space<vmem_shared>> -> memref<3125x32xf32, #tpu.memory_space<vmem_shared>>
      %dma_wait3A_28 = arith.constant 0 : i32
      %dma_wait3A_29 = tpu.memref_slice %arg2[%mul3A_2, %dma_wait3A_28] : memref<50000x32xf32, #tpu.memory_space<hbm>> -> memref<3125x32xf32, #tpu.memory_space<hbm>>
      tpu.wait_dma2 semaphore(%run_scoped3A : memref<!tpu.dma_semaphore, #tpu.memory_space<semaphore_mem>>) src(%dma_wait3A_29 : memref<3125x32xf32, #tpu.memory_space<hbm>>) dst(%dma_wait3A_27 : memref<3125x32xf32, #tpu.memory_space<vmem_shared>>)
      tpu.yield
    }) : () -> ()
    %barrier3A = arith.constant 0 : index
    tpu.barrier barrier_id(%barrier3A)
    %scan3A = arith.constant 0 : i32
    %scan3A_5 = arith.constant 0 : i32
    %scan3A_6 = arith.constant 125 : i32
    %scan3A_7 = arith.addi %scan3A_5, %scan3A_6 : i32
    %scan3A_8 = arith.constant 1 : i32
    scf.for %scan3A_24 = %scan3A_5 to %scan3A_7 step %scan3A_8  : i32 {
      %mul3A_25 = arith.constant 25000 : i32
      %mul3A_26 = arith.muli %add3A, %mul3A_25 : i32
      %mul3A_27 = arith.constant 200 : i32
      %mul3A_28 = arith.muli %scan3A_24, %mul3A_27 : i32
      %add3A_29 = arith.addi %mul3A_26, %mul3A_28 : i32
      "tpu.region"() ({
        %run_scoped3A = tpu.sem_alloc : memref<!tpu.dma_semaphore, #tpu.memory_space<semaphore_mem>>
        %dma_start3A = tpu.memref_slice %arg5[%add3A_29] : memref<800000xi32, #tpu.memory_space<hbm>> -> memref<200xi32, #tpu.memory_space<hbm>>
        %dma_start3A_30 = tpu.memref_slice %arg5[%add3A_29] : memref<800000xi32, #tpu.memory_space<hbm>> -> memref<200xi32, #tpu.memory_space<hbm>>
        tpu.enqueue_dma source(%dma_start3A_30 : memref<200xi32, #tpu.memory_space<hbm>>) target(%arg8 : memref<200xi32, #tpu.memory_space<vmem>>) target_semaphore(%run_scoped3A : memref<!tpu.dma_semaphore, #tpu.memory_space<semaphore_mem>>)
        %dma_wait3A = tpu.memref_slice %arg5[%add3A_29] : memref<800000xi32, #tpu.memory_space<hbm>> -> memref<200xi32, #tpu.memory_space<hbm>>
        %dma_wait3A_31 = tpu.memref_slice %arg5[%add3A_29] : memref<800000xi32, #tpu.memory_space<hbm>> -> memref<200xi32, #tpu.memory_space<hbm>>
        tpu.wait_dma2 semaphore(%run_scoped3A : memref<!tpu.dma_semaphore, #tpu.memory_space<semaphore_mem>>) src(%dma_wait3A_31 : memref<200xi32, #tpu.memory_space<hbm>>) dst(%arg8 : memref<200xi32, #tpu.memory_space<vmem>>)
        tpu.yield
      }) : () -> ()
      "tpu.region"() ({
        %run_scoped3A = tpu.sem_alloc : memref<!tpu.dma_semaphore, #tpu.memory_space<semaphore_mem>>
        %dma_start3A = arith.constant 0 : i32
        %dma_start3A_30 = tpu.memref_slice %arg3[%add3A_29, %dma_start3A] : memref<800000x32xf32, #tpu.memory_space<hbm>> -> memref<200x32xf32, #tpu.memory_space<hbm>>
        %dma_start3A_31 = arith.constant 0 : i32
        %dma_start3A_32 = tpu.memref_slice %arg3[%add3A_29, %dma_start3A_31] : memref<800000x32xf32, #tpu.memory_space<hbm>> -> memref<200x32xf32, #tpu.memory_space<hbm>>
        tpu.enqueue_dma source(%dma_start3A_32 : memref<200x32xf32, #tpu.memory_space<hbm>>) target(%arg9 : memref<200x32xf32, #tpu.memory_space<vmem>>) target_semaphore(%run_scoped3A : memref<!tpu.dma_semaphore, #tpu.memory_space<semaphore_mem>>)
        %dma_wait3A = arith.constant 0 : i32
        %dma_wait3A_33 = tpu.memref_slice %arg3[%add3A_29, %dma_wait3A] : memref<800000x32xf32, #tpu.memory_space<hbm>> -> memref<200x32xf32, #tpu.memory_space<hbm>>
        %dma_wait3A_34 = arith.constant 0 : i32
        %dma_wait3A_35 = tpu.memref_slice %arg3[%add3A_29, %dma_wait3A_34] : memref<800000x32xf32, #tpu.memory_space<hbm>> -> memref<200x32xf32, #tpu.memory_space<hbm>>
        tpu.wait_dma2 semaphore(%run_scoped3A : memref<!tpu.dma_semaphore, #tpu.memory_space<semaphore_mem>>) src(%dma_wait3A_35 : memref<200x32xf32, #tpu.memory_space<hbm>>) dst(%arg9 : memref<200x32xf32, #tpu.memory_space<vmem>>)
        tpu.yield
      }) : () -> ()
      "tpu.region"() ({
        %run_scoped3A = tpu.sem_alloc : memref<!tpu.dma_semaphore, #tpu.memory_space<semaphore_mem>>
        %dma_start3A = arith.constant 0 : i32
        %dma_start3A_30 = arith.constant 0 : i32
        %dma_start3A_31 = tpu.memref_slice %arg10[%dma_start3A, %dma_start3A_30] : memref<50000x32xf32, #tpu.memory_space<vmem_shared>> -> memref<50000x32xf32, #tpu.memory_space<vmem_shared>>
        tpu.enqueue_indirect_dma source(%arg9 : memref<200x32xf32, #tpu.memory_space<vmem>>) target(%dma_start3A_31 : memref<50000x32xf32, #tpu.memory_space<vmem_shared>>) offsets(%arg8 : memref<200xi32, #tpu.memory_space<vmem>>) semaphore(%run_scoped3A : memref<!tpu.dma_semaphore, #tpu.memory_space<semaphore_mem>>) {add = true}
        %dma_wait3A = arith.constant 0 : i32
        %dma_wait3A_32 = arith.constant 0 : i32
        %dma_wait3A_33 = tpu.memref_slice %arg10[%dma_wait3A, %dma_wait3A_32] : memref<50000x32xf32, #tpu.memory_space<vmem_shared>> -> memref<50000x32xf32, #tpu.memory_space<vmem_shared>>
        tpu.wait_indirect_dma semaphore(%run_scoped3A : memref<!tpu.dma_semaphore, #tpu.memory_space<semaphore_mem>>) src(%arg9 : memref<200x32xf32, #tpu.memory_space<vmem>>) dst(%dma_wait3A_33 : memref<50000x32xf32, #tpu.memory_space<vmem_shared>>)
        tpu.yield
      }) : () -> ()
    }
    %scan3A_9 = arith.constant 125 : i32
    %scan3A_10 = arith.constant 0 : i32
    %scan3A_11 = arith.constant 0 : i32
    %scan3A_12 = arith.constant 125 : i32
    %scan3A_13 = arith.addi %scan3A_11, %scan3A_12 : i32
    %scan3A_14 = arith.constant 1 : i32
    scf.for %scan3A_24 = %scan3A_11 to %scan3A_13 step %scan3A_14  : i32 {
      %mul3A_25 = arith.constant 25000 : i32
      %mul3A_26 = arith.muli %add3A, %mul3A_25 : i32
      %mul3A_27 = arith.constant 200 : i32
      %mul3A_28 = arith.muli %scan3A_24, %mul3A_27 : i32
      %add3A_29 = arith.addi %mul3A_26, %mul3A_28 : i32
      "tpu.region"() ({
        %run_scoped3A = tpu.sem_alloc : memref<!tpu.dma_semaphore, #tpu.memory_space<semaphore_mem>>
        %dma_start3A = tpu.memref_slice %arg6[%add3A_29] : memref<800000xi32, #tpu.memory_space<hbm>> -> memref<200xi32, #tpu.memory_space<hbm>>
        %dma_start3A_30 = tpu.memref_slice %arg6[%add3A_29] : memref<800000xi32, #tpu.memory_space<hbm>> -> memref<200xi32, #tpu.memory_space<hbm>>
        tpu.enqueue_dma source(%dma_start3A_30 : memref<200xi32, #tpu.memory_space<hbm>>) target(%arg8 : memref<200xi32, #tpu.memory_space<vmem>>) target_semaphore(%run_scoped3A : memref<!tpu.dma_semaphore, #tpu.memory_space<semaphore_mem>>)
        %dma_wait3A = tpu.memref_slice %arg6[%add3A_29] : memref<800000xi32, #tpu.memory_space<hbm>> -> memref<200xi32, #tpu.memory_space<hbm>>
        %dma_wait3A_31 = tpu.memref_slice %arg6[%add3A_29] : memref<800000xi32, #tpu.memory_space<hbm>> -> memref<200xi32, #tpu.memory_space<hbm>>
        tpu.wait_dma2 semaphore(%run_scoped3A : memref<!tpu.dma_semaphore, #tpu.memory_space<semaphore_mem>>) src(%dma_wait3A_31 : memref<200xi32, #tpu.memory_space<hbm>>) dst(%arg8 : memref<200xi32, #tpu.memory_space<vmem>>)
        tpu.yield
      }) : () -> ()
      "tpu.region"() ({
        %run_scoped3A = tpu.sem_alloc : memref<!tpu.dma_semaphore, #tpu.memory_space<semaphore_mem>>
        %dma_start3A = arith.constant 0 : i32
        %dma_start3A_30 = tpu.memref_slice %arg4[%add3A_29, %dma_start3A] : memref<800000x32xf32, #tpu.memory_space<hbm>> -> memref<200x32xf32, #tpu.memory_space<hbm>>
        %dma_start3A_31 = arith.constant 0 : i32
        %dma_start3A_32 = tpu.memref_slice %arg4[%add3A_29, %dma_start3A_31] : memref<800000x32xf32, #tpu.memory_space<hbm>> -> memref<200x32xf32, #tpu.memory_space<hbm>>
        tpu.enqueue_dma source(%dma_start3A_32 : memref<200x32xf32, #tpu.memory_space<hbm>>) target(%arg9 : memref<200x32xf32, #tpu.memory_space<vmem>>) target_semaphore(%run_scoped3A : memref<!tpu.dma_semaphore, #tpu.memory_space<semaphore_mem>>)
        %dma_wait3A = arith.constant 0 : i32
        %dma_wait3A_33 = tpu.memref_slice %arg4[%add3A_29, %dma_wait3A] : memref<800000x32xf32, #tpu.memory_space<hbm>> -> memref<200x32xf32, #tpu.memory_space<hbm>>
        %dma_wait3A_34 = arith.constant 0 : i32
        %dma_wait3A_35 = tpu.memref_slice %arg4[%add3A_29, %dma_wait3A_34] : memref<800000x32xf32, #tpu.memory_space<hbm>> -> memref<200x32xf32, #tpu.memory_space<hbm>>
        tpu.wait_dma2 semaphore(%run_scoped3A : memref<!tpu.dma_semaphore, #tpu.memory_space<semaphore_mem>>) src(%dma_wait3A_35 : memref<200x32xf32, #tpu.memory_space<hbm>>) dst(%arg9 : memref<200x32xf32, #tpu.memory_space<vmem>>)
        tpu.yield
      }) : () -> ()
      "tpu.region"() ({
        %run_scoped3A = tpu.sem_alloc : memref<!tpu.dma_semaphore, #tpu.memory_space<semaphore_mem>>
        %dma_start3A = arith.constant 0 : i32
        %dma_start3A_30 = arith.constant 0 : i32
        %dma_start3A_31 = tpu.memref_slice %arg10[%dma_start3A, %dma_start3A_30] : memref<50000x32xf32, #tpu.memory_space<vmem_shared>> -> memref<50000x32xf32, #tpu.memory_space<vmem_shared>>
        tpu.enqueue_indirect_dma source(%arg9 : memref<200x32xf32, #tpu.memory_space<vmem>>) target(%dma_start3A_31 : memref<50000x32xf32, #tpu.memory_space<vmem_shared>>) offsets(%arg8 : memref<200xi32, #tpu.memory_space<vmem>>) semaphore(%run_scoped3A : memref<!tpu.dma_semaphore, #tpu.memory_space<semaphore_mem>>) {add = true}
        %dma_wait3A = arith.constant 0 : i32
        %dma_wait3A_32 = arith.constant 0 : i32
        %dma_wait3A_33 = tpu.memref_slice %arg10[%dma_wait3A, %dma_wait3A_32] : memref<50000x32xf32, #tpu.memory_space<vmem_shared>> -> memref<50000x32xf32, #tpu.memory_space<vmem_shared>>
        tpu.wait_indirect_dma semaphore(%run_scoped3A : memref<!tpu.dma_semaphore, #tpu.memory_space<semaphore_mem>>) src(%arg9 : memref<200x32xf32, #tpu.memory_space<vmem>>) dst(%dma_wait3A_33 : memref<50000x32xf32, #tpu.memory_space<vmem_shared>>)
        tpu.yield
      }) : () -> ()
    }
    %scan3A_15 = arith.constant 125 : i32
    %barrier3A_16 = arith.constant 0 : index
    tpu.barrier barrier_id(%barrier3A_16)
    %mul3A_17 = arith.constant 3125 : i32
    %mul3A_18 = arith.muli %arg1, %mul3A_17 : i32
    %mul3A_19 = arith.constant 50000 : i32
    %mul3A_20 = arith.muli %arg0, %mul3A_19 : i32
    %mul3A_21 = arith.constant 3125 : i32
    %mul3A_22 = arith.muli %arg1, %mul3A_21 : i32
    %add3A_23 = arith.addi %mul3A_20, %mul3A_22 : i32
    "tpu.region"() ({
      %run_scoped3A = tpu.sem_alloc : memref<!tpu.dma_semaphore, #tpu.memory_space<semaphore_mem>>
      %dma_start3A = arith.constant 0 : i32
      %dma_start3A_24 = tpu.memref_slice %arg7[%add3A_23, %dma_start3A] : memref<100000x32xf32, #tpu.memory_space<hbm>> -> memref<3125x32xf32, #tpu.memory_space<hbm>>
      %dma_start3A_25 = arith.constant 0 : i32
      %dma_start3A_26 = tpu.memref_slice %arg10[%mul3A_18, %dma_start3A_25] : memref<50000x32xf32, #tpu.memory_space<vmem_shared>> -> memref<3125x32xf32, #tpu.memory_space<vmem_shared>>
      tpu.enqueue_dma source(%dma_start3A_26 : memref<3125x32xf32, #tpu.memory_space<vmem_shared>>) target(%dma_start3A_24 : memref<3125x32xf32, #tpu.memory_space<hbm>>) target_semaphore(%run_scoped3A : memref<!tpu.dma_semaphore, #tpu.memory_space<semaphore_mem>>)
      %dma_wait3A = arith.constant 0 : i32
      %dma_wait3A_27 = tpu.memref_slice %arg7[%add3A_23, %dma_wait3A] : memref<100000x32xf32, #tpu.memory_space<hbm>> -> memref<3125x32xf32, #tpu.memory_space<hbm>>
      %dma_wait3A_28 = arith.constant 0 : i32
      %dma_wait3A_29 = tpu.memref_slice %arg10[%mul3A_18, %dma_wait3A_28] : memref<50000x32xf32, #tpu.memory_space<vmem_shared>> -> memref<3125x32xf32, #tpu.memory_space<vmem_shared>>
      tpu.wait_dma2 semaphore(%run_scoped3A : memref<!tpu.dma_semaphore, #tpu.memory_space<semaphore_mem>>) src(%dma_wait3A_29 : memref<3125x32xf32, #tpu.memory_space<vmem_shared>>) dst(%dma_wait3A_27 : memref<3125x32xf32, #tpu.memory_space<hbm>>)
      tpu.yield
    }) : () -> ()
    return
  }
}

#map = affine_map<(d0, d1) -> (0, 0)>
#map1 = affine_map<(d0, d1) -> (0)>
module attributes {stable_mosaic.version = 14 : i64} {
  func.func @_gather_body(%arg0: i32, %arg1: i32, %arg2: memref<50000x16xf32, #tpu.memory_space<hbm>>, %arg3: memref<1600000xi32, #tpu.memory_space<hbm>>, %arg4: memref<1600000xi32, #tpu.memory_space<hbm>>, %arg5: memref<1600000x16xf32, #tpu.memory_space<hbm>>, %arg6: memref<1600000x16xf32, #tpu.memory_space<hbm>>, %arg7: memref<2000xi32, #tpu.memory_space<vmem>>, %arg8: memref<2000xi32, #tpu.memory_space<vmem>>, %arg9: memref<2000x16xf32, #tpu.memory_space<vmem>>, %arg10: memref<2000x16xf32, #tpu.memory_space<vmem>>, %arg11: memref<!tpu.dma_semaphore, #tpu.memory_space<semaphore_mem>>, %arg12: memref<!tpu.dma_semaphore, #tpu.memory_space<semaphore_mem>>) attributes {dimension_semantics = [#tpu.dimension_semantics<core_parallel>, #tpu.dimension_semantics<subcore_parallel>], iteration_bounds = array<i64: 2, 16>, scalar_prefetch = 0 : i64, scratch_operands = 6 : i64, tpu.core_type = #tpu.core_type<sc_vector_subcore>, window_params = [{transform_indices = #map}, {transform_indices = #map1}, {transform_indices = #map1}, {transform_indices = #map}, {transform_indices = #map}]} {
    %mul3A = arith.constant 2 : i32
    %mul3A_0 = arith.muli %arg1, %mul3A : i32
    %add3A = arith.addi %mul3A_0, %arg0 : i32
    %scan3A = arith.constant 0 : i32
    %scan3A_1 = arith.constant 0 : i32
    %scan3A_2 = arith.constant 25 : i32
    %scan3A_3 = arith.addi %scan3A_1, %scan3A_2 : i32
    %scan3A_4 = arith.constant 1 : i32
    scf.for %scan3A_6 = %scan3A_1 to %scan3A_3 step %scan3A_4  : i32 {
      %mul3A_7 = arith.constant 50000 : i32
      %mul3A_8 = arith.muli %add3A, %mul3A_7 : i32
      %mul3A_9 = arith.constant 2000 : i32
      %mul3A_10 = arith.muli %scan3A_6, %mul3A_9 : i32
      %add3A_11 = arith.addi %mul3A_8, %mul3A_10 : i32
      %dma_start3A = tpu.memref_slice %arg3[%add3A_11] : memref<1600000xi32, #tpu.memory_space<hbm>> -> memref<2000xi32, #tpu.memory_space<hbm>>
      %dma_start3A_12 = tpu.memref_slice %arg3[%add3A_11] : memref<1600000xi32, #tpu.memory_space<hbm>> -> memref<2000xi32, #tpu.memory_space<hbm>>
      tpu.enqueue_dma source(%dma_start3A_12 : memref<2000xi32, #tpu.memory_space<hbm>>) target(%arg7 : memref<2000xi32, #tpu.memory_space<vmem>>) target_semaphore(%arg11 : memref<!tpu.dma_semaphore, #tpu.memory_space<semaphore_mem>>)
      %dma_start3A_13 = tpu.memref_slice %arg4[%add3A_11] : memref<1600000xi32, #tpu.memory_space<hbm>> -> memref<2000xi32, #tpu.memory_space<hbm>>
      %dma_start3A_14 = tpu.memref_slice %arg4[%add3A_11] : memref<1600000xi32, #tpu.memory_space<hbm>> -> memref<2000xi32, #tpu.memory_space<hbm>>
      tpu.enqueue_dma source(%dma_start3A_14 : memref<2000xi32, #tpu.memory_space<hbm>>) target(%arg8 : memref<2000xi32, #tpu.memory_space<vmem>>) target_semaphore(%arg12 : memref<!tpu.dma_semaphore, #tpu.memory_space<semaphore_mem>>)
      %dma_wait3A = tpu.memref_slice %arg3[%add3A_11] : memref<1600000xi32, #tpu.memory_space<hbm>> -> memref<2000xi32, #tpu.memory_space<hbm>>
      %dma_wait3A_15 = tpu.memref_slice %arg3[%add3A_11] : memref<1600000xi32, #tpu.memory_space<hbm>> -> memref<2000xi32, #tpu.memory_space<hbm>>
      tpu.wait_dma2 semaphore(%arg11 : memref<!tpu.dma_semaphore, #tpu.memory_space<semaphore_mem>>) src(%dma_wait3A_15 : memref<2000xi32, #tpu.memory_space<hbm>>) dst(%arg7 : memref<2000xi32, #tpu.memory_space<vmem>>)
      %dma_wait3A_16 = tpu.memref_slice %arg4[%add3A_11] : memref<1600000xi32, #tpu.memory_space<hbm>> -> memref<2000xi32, #tpu.memory_space<hbm>>
      %dma_wait3A_17 = tpu.memref_slice %arg4[%add3A_11] : memref<1600000xi32, #tpu.memory_space<hbm>> -> memref<2000xi32, #tpu.memory_space<hbm>>
      tpu.wait_dma2 semaphore(%arg12 : memref<!tpu.dma_semaphore, #tpu.memory_space<semaphore_mem>>) src(%dma_wait3A_17 : memref<2000xi32, #tpu.memory_space<hbm>>) dst(%arg8 : memref<2000xi32, #tpu.memory_space<vmem>>)
      %dma_start3A_18 = arith.constant 0 : i32
      %dma_start3A_19 = arith.constant 0 : i32
      %dma_start3A_20 = tpu.memref_slice %arg2[%dma_start3A_18, %dma_start3A_19] : memref<50000x16xf32, #tpu.memory_space<hbm>> -> memref<50000x16xf32, #tpu.memory_space<hbm>>
      tpu.enqueue_indirect_dma source(%dma_start3A_20 : memref<50000x16xf32, #tpu.memory_space<hbm>>) target(%arg9 : memref<2000x16xf32, #tpu.memory_space<vmem>>) offsets(%arg7 : memref<2000xi32, #tpu.memory_space<vmem>>) semaphore(%arg11 : memref<!tpu.dma_semaphore, #tpu.memory_space<semaphore_mem>>)
      %dma_start3A_21 = arith.constant 0 : i32
      %dma_start3A_22 = arith.constant 0 : i32
      %dma_start3A_23 = tpu.memref_slice %arg2[%dma_start3A_21, %dma_start3A_22] : memref<50000x16xf32, #tpu.memory_space<hbm>> -> memref<50000x16xf32, #tpu.memory_space<hbm>>
      tpu.enqueue_indirect_dma source(%dma_start3A_23 : memref<50000x16xf32, #tpu.memory_space<hbm>>) target(%arg10 : memref<2000x16xf32, #tpu.memory_space<vmem>>) offsets(%arg8 : memref<2000xi32, #tpu.memory_space<vmem>>) semaphore(%arg12 : memref<!tpu.dma_semaphore, #tpu.memory_space<semaphore_mem>>)
      %dma_wait3A_24 = arith.constant 0 : i32
      %dma_wait3A_25 = arith.constant 0 : i32
      %dma_wait3A_26 = tpu.memref_slice %arg2[%dma_wait3A_24, %dma_wait3A_25] : memref<50000x16xf32, #tpu.memory_space<hbm>> -> memref<50000x16xf32, #tpu.memory_space<hbm>>
      tpu.wait_indirect_dma semaphore(%arg11 : memref<!tpu.dma_semaphore, #tpu.memory_space<semaphore_mem>>) src(%dma_wait3A_26 : memref<50000x16xf32, #tpu.memory_space<hbm>>) dst(%arg9 : memref<2000x16xf32, #tpu.memory_space<vmem>>)
      %dma_wait3A_27 = arith.constant 0 : i32
      %dma_wait3A_28 = arith.constant 0 : i32
      %dma_wait3A_29 = tpu.memref_slice %arg2[%dma_wait3A_27, %dma_wait3A_28] : memref<50000x16xf32, #tpu.memory_space<hbm>> -> memref<50000x16xf32, #tpu.memory_space<hbm>>
      tpu.wait_indirect_dma semaphore(%arg12 : memref<!tpu.dma_semaphore, #tpu.memory_space<semaphore_mem>>) src(%dma_wait3A_29 : memref<50000x16xf32, #tpu.memory_space<hbm>>) dst(%arg10 : memref<2000x16xf32, #tpu.memory_space<vmem>>)
      %dma_start3A_30 = arith.constant 0 : i32
      %dma_start3A_31 = tpu.memref_slice %arg5[%add3A_11, %dma_start3A_30] : memref<1600000x16xf32, #tpu.memory_space<hbm>> -> memref<2000x16xf32, #tpu.memory_space<hbm>>
      %dma_start3A_32 = arith.constant 0 : i32
      %dma_start3A_33 = tpu.memref_slice %arg5[%add3A_11, %dma_start3A_32] : memref<1600000x16xf32, #tpu.memory_space<hbm>> -> memref<2000x16xf32, #tpu.memory_space<hbm>>
      tpu.enqueue_dma source(%arg9 : memref<2000x16xf32, #tpu.memory_space<vmem>>) target(%dma_start3A_33 : memref<2000x16xf32, #tpu.memory_space<hbm>>) target_semaphore(%arg11 : memref<!tpu.dma_semaphore, #tpu.memory_space<semaphore_mem>>)
      %dma_start3A_34 = arith.constant 0 : i32
      %dma_start3A_35 = tpu.memref_slice %arg6[%add3A_11, %dma_start3A_34] : memref<1600000x16xf32, #tpu.memory_space<hbm>> -> memref<2000x16xf32, #tpu.memory_space<hbm>>
      %dma_start3A_36 = arith.constant 0 : i32
      %dma_start3A_37 = tpu.memref_slice %arg6[%add3A_11, %dma_start3A_36] : memref<1600000x16xf32, #tpu.memory_space<hbm>> -> memref<2000x16xf32, #tpu.memory_space<hbm>>
      tpu.enqueue_dma source(%arg10 : memref<2000x16xf32, #tpu.memory_space<vmem>>) target(%dma_start3A_37 : memref<2000x16xf32, #tpu.memory_space<hbm>>) target_semaphore(%arg12 : memref<!tpu.dma_semaphore, #tpu.memory_space<semaphore_mem>>)
      %dma_wait3A_38 = arith.constant 0 : i32
      %dma_wait3A_39 = tpu.memref_slice %arg5[%add3A_11, %dma_wait3A_38] : memref<1600000x16xf32, #tpu.memory_space<hbm>> -> memref<2000x16xf32, #tpu.memory_space<hbm>>
      %dma_wait3A_40 = arith.constant 0 : i32
      %dma_wait3A_41 = tpu.memref_slice %arg5[%add3A_11, %dma_wait3A_40] : memref<1600000x16xf32, #tpu.memory_space<hbm>> -> memref<2000x16xf32, #tpu.memory_space<hbm>>
      tpu.wait_dma2 semaphore(%arg11 : memref<!tpu.dma_semaphore, #tpu.memory_space<semaphore_mem>>) src(%arg9 : memref<2000x16xf32, #tpu.memory_space<vmem>>) dst(%dma_wait3A_41 : memref<2000x16xf32, #tpu.memory_space<hbm>>)
      %dma_wait3A_42 = arith.constant 0 : i32
      %dma_wait3A_43 = tpu.memref_slice %arg6[%add3A_11, %dma_wait3A_42] : memref<1600000x16xf32, #tpu.memory_space<hbm>> -> memref<2000x16xf32, #tpu.memory_space<hbm>>
      %dma_wait3A_44 = arith.constant 0 : i32
      %dma_wait3A_45 = tpu.memref_slice %arg6[%add3A_11, %dma_wait3A_44] : memref<1600000x16xf32, #tpu.memory_space<hbm>> -> memref<2000x16xf32, #tpu.memory_space<hbm>>
      tpu.wait_dma2 semaphore(%arg12 : memref<!tpu.dma_semaphore, #tpu.memory_space<semaphore_mem>>) src(%arg10 : memref<2000x16xf32, #tpu.memory_space<vmem>>) dst(%dma_wait3A_45 : memref<2000x16xf32, #tpu.memory_space<hbm>>)
    }
    %scan3A_5 = arith.constant 25 : i32
    return
  }
}

module attributes {stable_mosaic.version = 14 : i64} {
  func.func @_mlp_body(%arg0: i32, %arg1: memref<2000x128xf32, #tpu.memory_space<vmem>>, %arg2: memref<2000x128xf32, #tpu.memory_space<vmem>>, %arg3: memref<2000x128xf32, #tpu.memory_space<vmem>>, %arg4: memref<2000x128xf32, #tpu.memory_space<vmem>>, %arg5: memref<128x256xf32, #tpu.memory_space<vmem>>, %arg6: memref<128x256xf32, #tpu.memory_space<vmem>>, %arg7: memref<1x256xf32, #tpu.memory_space<vmem>>, %arg8: memref<128x128xf32, #tpu.memory_space<vmem>>, %arg9: memref<1x128xf32, #tpu.memory_space<vmem>>, %arg10: memref<2000x128xf32, #tpu.memory_space<vmem>>, %arg11: memref<2000x128xf32, #tpu.memory_space<vmem>>) attributes {dimension_semantics = [#tpu.dimension_semantics<arbitrary>], iteration_bounds = array<i64: 100>, scalar_prefetch = 0 : i64, scratch_operands = 0 : i64, tpu.core_type = #tpu.core_type<tc>, window_params = [{transform_indices = @transform_0, window_bounds = array<i64: 2000, 128>}, {transform_indices = @transform_1, window_bounds = array<i64: 2000, 128>}, {transform_indices = @transform_2, window_bounds = array<i64: 2000, 128>}, {transform_indices = @transform_3, window_bounds = array<i64: 2000, 128>}, {pipeline_mode = #tpu.pipeline_mode<synchronous>, transform_indices = @transform_4, window_bounds = array<i64: 128, 256>}, {pipeline_mode = #tpu.pipeline_mode<synchronous>, transform_indices = @transform_5, window_bounds = array<i64: 128, 256>}, {pipeline_mode = #tpu.pipeline_mode<synchronous>, transform_indices = @transform_6, window_bounds = array<i64: 1, 256>}, {pipeline_mode = #tpu.pipeline_mode<synchronous>, transform_indices = @transform_7, window_bounds = array<i64: 128, 128>}, {pipeline_mode = #tpu.pipeline_mode<synchronous>, transform_indices = @transform_8, window_bounds = array<i64: 1, 128>}, {transform_indices = @transform_9, window_bounds = array<i64: 2000, 128>}, {transform_indices = @transform_10, window_bounds = array<i64: 2000, 128>}]} {
    %get3A = arith.constant 0 : index
    %get3A_0 = arith.constant 0 : index
    %get3A_1 = vector.load %arg1[%get3A, %get3A_0] : memref<2000x128xf32, #tpu.memory_space<vmem>>, vector<2000x128xf32>
    %get3A_2 = arith.constant 0 : index
    %get3A_3 = arith.constant 0 : index
    %get3A_4 = vector.load %arg5[%get3A_2, %get3A_3] : memref<128x256xf32, #tpu.memory_space<vmem>>, vector<128x256xf32>
    %dot_general3A = arith.constant dense<0.000000e+00> : vector<2000x256xf32>
    %dot_general3A_5 = tpu.matmul %get3A_1, %get3A_4, %dot_general3A {dimension_numbers = #tpu.dot_dimension_numbers<[1], [0], [0], [1], [0, 0, 1, 1], [], []>, transpose_lhs_hint = false} : vector<2000x128xf32>, vector<128x256xf32>, vector<2000x256xf32> -> vector<2000x256xf32>
    %get3A_6 = arith.constant 0 : index
    %get3A_7 = arith.constant 0 : index
    %get3A_8 = vector.load %arg2[%get3A_6, %get3A_7] : memref<2000x128xf32, #tpu.memory_space<vmem>>, vector<2000x128xf32>
    %get3A_9 = arith.constant 0 : index
    %get3A_10 = arith.constant 0 : index
    %get3A_11 = vector.load %arg6[%get3A_9, %get3A_10] : memref<128x256xf32, #tpu.memory_space<vmem>>, vector<128x256xf32>
    %dot_general3A_12 = arith.constant dense<0.000000e+00> : vector<2000x256xf32>
    %dot_general3A_13 = tpu.matmul %get3A_8, %get3A_11, %dot_general3A_12 {dimension_numbers = #tpu.dot_dimension_numbers<[1], [0], [0], [1], [0, 0, 1, 1], [], []>, transpose_lhs_hint = false} : vector<2000x128xf32>, vector<128x256xf32>, vector<2000x256xf32> -> vector<2000x256xf32>
    %add3A = arith.addf %dot_general3A_5, %dot_general3A_13 : vector<2000x256xf32>
    %get3A_14 = arith.constant 0 : index
    %get3A_15 = arith.constant 0 : index
    %get3A_16 = vector.load %arg7[%get3A_14, %get3A_15] : memref<1x256xf32, #tpu.memory_space<vmem>>, vector<1x256xf32>
    %add3A_17 = vector.broadcast %get3A_16 : vector<1x256xf32> to vector<2000x256xf32>
    %add3A_18 = arith.addf %add3A, %add3A_17 : vector<2000x256xf32>
    %slice3A = vector.extract_strided_slice %add3A_18 {offsets = [0, 0], sizes = [2000, 128], strides = [1, 1]} : vector<2000x256xf32> to vector<2000x128xf32>
    %get3A_19 = arith.constant 0 : index
    %get3A_20 = arith.constant 0 : index
    %get3A_21 = vector.load %arg3[%get3A_19, %get3A_20] : memref<2000x128xf32, #tpu.memory_space<vmem>>, vector<2000x128xf32>
    %add3A_22 = arith.addf %slice3A, %get3A_21 : vector<2000x128xf32>
    %max3A = arith.constant 0.000000e+00 : f32
    %max3A_23 = vector.broadcast %max3A : f32 to vector<2000x128xf32>
    %max3A_24 = arith.maximumf %add3A_22, %max3A_23 : vector<2000x128xf32>
    %slice3A_25 = vector.extract_strided_slice %add3A_18 {offsets = [0, 128], sizes = [2000, 128], strides = [1, 1]} : vector<2000x256xf32> to vector<2000x128xf32>
    %get3A_26 = arith.constant 0 : index
    %get3A_27 = arith.constant 0 : index
    %get3A_28 = vector.load %arg4[%get3A_26, %get3A_27] : memref<2000x128xf32, #tpu.memory_space<vmem>>, vector<2000x128xf32>
    %add3A_29 = arith.addf %slice3A_25, %get3A_28 : vector<2000x128xf32>
    %max3A_30 = arith.constant 0.000000e+00 : f32
    %max3A_31 = vector.broadcast %max3A_30 : f32 to vector<2000x128xf32>
    %max3A_32 = arith.maximumf %add3A_29, %max3A_31 : vector<2000x128xf32>
    %get3A_33 = arith.constant 0 : index
    %get3A_34 = arith.constant 0 : index
    %get3A_35 = vector.load %arg8[%get3A_33, %get3A_34] : memref<128x128xf32, #tpu.memory_space<vmem>>, vector<128x128xf32>
    %dot_general3A_36 = arith.constant dense<0.000000e+00> : vector<2000x128xf32>
    %dot_general3A_37 = tpu.matmul %max3A_24, %get3A_35, %dot_general3A_36 {dimension_numbers = #tpu.dot_dimension_numbers<[1], [0], [0], [1], [0, 0, 1, 1], [], []>, transpose_lhs_hint = false} : vector<2000x128xf32>, vector<128x128xf32>, vector<2000x128xf32> -> vector<2000x128xf32>
    %get3A_38 = arith.constant 0 : index
    %get3A_39 = arith.constant 0 : index
    %get3A_40 = vector.load %arg9[%get3A_38, %get3A_39] : memref<1x128xf32, #tpu.memory_space<vmem>>, vector<1x128xf32>
    %add3A_41 = vector.broadcast %get3A_40 : vector<1x128xf32> to vector<2000x128xf32>
    %add3A_42 = arith.addf %dot_general3A_37, %add3A_41 : vector<2000x128xf32>
    %swap3A = arith.constant 0 : index
    %swap3A_43 = arith.constant 0 : index
    %swap3A_44 = vector.load %arg10[%swap3A, %swap3A_43] : memref<2000x128xf32, #tpu.memory_space<vmem>>, vector<2000x128xf32>
    tpu.vector_store %arg10[%swap3A, %swap3A_43], %add3A_42 {strides = array<i32>} : memref<2000x128xf32, #tpu.memory_space<vmem>>, vector<2000x128xf32>,
    %get3A_45 = arith.constant 0 : index
    %get3A_46 = arith.constant 0 : index
    %get3A_47 = vector.load %arg8[%get3A_45, %get3A_46] : memref<128x128xf32, #tpu.memory_space<vmem>>, vector<128x128xf32>
    %dot_general3A_48 = arith.constant dense<0.000000e+00> : vector<2000x128xf32>
    %dot_general3A_49 = tpu.matmul %max3A_32, %get3A_47, %dot_general3A_48 {dimension_numbers = #tpu.dot_dimension_numbers<[1], [0], [0], [1], [0, 0, 1, 1], [], []>, transpose_lhs_hint = false} : vector<2000x128xf32>, vector<128x128xf32>, vector<2000x128xf32> -> vector<2000x128xf32>
    %get3A_50 = arith.constant 0 : index
    %get3A_51 = arith.constant 0 : index
    %get3A_52 = vector.load %arg9[%get3A_50, %get3A_51] : memref<1x128xf32, #tpu.memory_space<vmem>>, vector<1x128xf32>
    %add3A_53 = vector.broadcast %get3A_52 : vector<1x128xf32> to vector<2000x128xf32>
    %add3A_54 = arith.addf %dot_general3A_49, %add3A_53 : vector<2000x128xf32>
    %swap3A_55 = arith.constant 0 : index
    %swap3A_56 = arith.constant 0 : index
    %swap3A_57 = vector.load %arg11[%swap3A_55, %swap3A_56] : memref<2000x128xf32, #tpu.memory_space<vmem>>, vector<2000x128xf32>
    tpu.vector_store %arg11[%swap3A_55, %swap3A_56], %add3A_54 {strides = array<i32>} : memref<2000x128xf32, #tpu.memory_space<vmem>>, vector<2000x128xf32>,
    return
  }
  func.func @transform_0(%arg0: i32) -> (i32, i32) {
    %c0_i32 = arith.constant 0 : i32
    %c0_i32_0 = arith.constant 0 : i32
    return %arg0, %c0_i32 : i32, i32
  }
  func.func @transform_1(%arg0: i32) -> (i32, i32) {
    %c0_i32 = arith.constant 0 : i32
    %c0_i32_0 = arith.constant 0 : i32
    return %arg0, %c0_i32 : i32, i32
  }
  func.func @transform_2(%arg0: i32) -> (i32, i32) {
    %c0_i32 = arith.constant 0 : i32
    %c0_i32_0 = arith.constant 0 : i32
    return %arg0, %c0_i32 : i32, i32
  }
  func.func @transform_3(%arg0: i32) -> (i32, i32) {
    %c0_i32 = arith.constant 0 : i32
    %c0_i32_0 = arith.constant 0 : i32
    return %arg0, %c0_i32 : i32, i32
  }
  func.func @transform_4(%arg0: i32) -> (i32, i32) {
    %c0_i32 = arith.constant 0 : i32
    %c0_i32_0 = arith.constant 0 : i32
    %c0_i32_1 = arith.constant 0 : i32
    return %c0_i32, %c0_i32_0 : i32, i32
  }
  func.func @transform_5(%arg0: i32) -> (i32, i32) {
    %c0_i32 = arith.constant 0 : i32
    %c0_i32_0 = arith.constant 0 : i32
    %c0_i32_1 = arith.constant 0 : i32
    return %c0_i32, %c0_i32_0 : i32, i32
  }
  func.func @transform_6(%arg0: i32) -> (i32, i32) {
    %c0_i32 = arith.constant 0 : i32
    %c0_i32_0 = arith.constant 0 : i32
    %c0_i32_1 = arith.constant 0 : i32
    return %c0_i32, %c0_i32_0 : i32, i32
  }
  func.func @transform_7(%arg0: i32) -> (i32, i32) {
    %c0_i32 = arith.constant 0 : i32
    %c0_i32_0 = arith.constant 0 : i32
    %c0_i32_1 = arith.constant 0 : i32
    return %c0_i32, %c0_i32_0 : i32, i32
  }
  func.func @transform_8(%arg0: i32) -> (i32, i32) {
    %c0_i32 = arith.constant 0 : i32
    %c0_i32_0 = arith.constant 0 : i32
    %c0_i32_1 = arith.constant 0 : i32
    return %c0_i32, %c0_i32_0 : i32, i32
  }
  func.func @transform_9(%arg0: i32) -> (i32, i32) {
    %c0_i32 = arith.constant 0 : i32
    %c0_i32_0 = arith.constant 0 : i32
    return %arg0, %c0_i32 : i32, i32
  }
  func.func @transform_10(%arg0: i32) -> (i32, i32) {
    %c0_i32 = arith.constant 0 : i32
    %c0_i32_0 = arith.constant 0 : i32
    return %arg0, %c0_i32 : i32, i32
  }
}

module attributes {stable_mosaic.version = 14 : i64} {
  func.func @_node_body(%arg0: memref<500x1600xf32, #tpu.memory_space<vmem>>, %arg1: memref<2x500x3200xf32, #tpu.memory_space<vmem>>, %arg2: memref<1600x100xf32, #tpu.memory_space<vmem>>, %arg3: memref<3200x100xf32, #tpu.memory_space<vmem>>, %arg4: memref<1600x3xf32, #tpu.memory_space<vmem>>, %arg5: memref<3200x3xf32, #tpu.memory_space<vmem>>, %arg6: memref<1600x3xf32, #tpu.memory_space<vmem>>, %arg7: memref<3200x3xf32, #tpu.memory_space<vmem>>, %arg8: memref<1x1xf32, #tpu.memory_space<vmem>>, %arg9: memref<1x1xf32, #tpu.memory_space<vmem>>, %arg10: memref<1x1xf32, #tpu.memory_space<vmem>>, %arg11: memref<1x3xf32, #tpu.memory_space<vmem>>, %arg12: memref<500x100xf32, #tpu.memory_space<vmem>>, %arg13: memref<500x3xf32, #tpu.memory_space<vmem>>) attributes {dimension_semantics = [], scalar_prefetch = 0 : i64, scratch_operands = 0 : i64, tpu.core_type = #tpu.core_type<tc>} {
    %get3A = arith.constant 0 : index
    %get3A_0 = arith.constant 0 : index
    %get3A_1 = arith.constant 0 : index
    %get3A_2 = vector.load %arg1[%get3A, %get3A_0, %get3A_1] : memref<2x500x3200xf32, #tpu.memory_space<vmem>>, vector<1x500x3200xf32>
    %get3A_3 = vector.shape_cast %get3A_2 : vector<1x500x3200xf32> to vector<500x3200xf32>
    %get3A_4 = arith.constant 1 : index
    %get3A_5 = arith.constant 0 : index
    %get3A_6 = arith.constant 0 : index
    %get3A_7 = vector.load %arg1[%get3A_4, %get3A_5, %get3A_6] : memref<2x500x3200xf32, #tpu.memory_space<vmem>>, vector<1x500x3200xf32>
    %get3A_8 = vector.shape_cast %get3A_7 : vector<1x500x3200xf32> to vector<500x3200xf32>
    %add3A = arith.addf %get3A_3, %get3A_8 : vector<500x3200xf32>
    %get3A_9 = arith.constant 0 : index
    %get3A_10 = arith.constant 0 : index
    %get3A_11 = vector.load %arg0[%get3A_9, %get3A_10] : memref<500x1600xf32, #tpu.memory_space<vmem>>, vector<500x1600xf32>
    %get3A_12 = arith.constant 0 : index
    %get3A_13 = arith.constant 0 : index
    %get3A_14 = vector.load %arg2[%get3A_12, %get3A_13] : memref<1600x100xf32, #tpu.memory_space<vmem>>, vector<1600x100xf32>
    %dot_general3A = arith.constant dense<0.000000e+00> : vector<500x100xf32>
    %dot_general3A_15 = tpu.matmul %get3A_11, %get3A_14, %dot_general3A {dimension_numbers = #tpu.dot_dimension_numbers<[1], [0], [0], [1], [0, 0, 1, 1], [], []>, precision = #tpu.contract_precision<fp32>, transpose_lhs_hint = false} : vector<500x1600xf32>, vector<1600x100xf32>, vector<500x100xf32> -> vector<500x100xf32>
    %get3A_16 = arith.constant 0 : index
    %get3A_17 = arith.constant 0 : index
    %get3A_18 = vector.load %arg3[%get3A_16, %get3A_17] : memref<3200x100xf32, #tpu.memory_space<vmem>>, vector<3200x100xf32>
    %dot_general3A_19 = arith.constant dense<0.000000e+00> : vector<500x100xf32>
    %dot_general3A_20 = tpu.matmul %add3A, %get3A_18, %dot_general3A_19 {dimension_numbers = #tpu.dot_dimension_numbers<[1], [0], [0], [1], [0, 0, 1, 1], [], []>, precision = #tpu.contract_precision<fp32>, transpose_lhs_hint = false} : vector<500x3200xf32>, vector<3200x100xf32>, vector<500x100xf32> -> vector<500x100xf32>
    %add3A_21 = arith.addf %dot_general3A_15, %dot_general3A_20 : vector<500x100xf32>
    %get3A_22 = arith.constant 0 : index
    %get3A_23 = arith.constant 0 : index
    %get3A_24 = vector.load %arg8[%get3A_22, %get3A_23] : memref<1x1xf32, #tpu.memory_space<vmem>>, vector<1x1xf32>
    %add3A_25 = vector.broadcast %get3A_24 : vector<1x1xf32> to vector<500x100xf32>
    %add3A_26 = arith.addf %add3A_21, %add3A_25 : vector<500x100xf32>
    %add3A_27 = arith.constant 1.000000e-10 : f32
    %add3A_28 = vector.broadcast %add3A_27 : f32 to vector<500x100xf32>
    %add3A_29 = arith.addf %add3A_26, %add3A_28 : vector<500x100xf32>
    %max3A = arith.constant 0.000000e+00 : f32
    %max3A_30 = vector.broadcast %max3A : f32 to vector<500x100xf32>
    %max3A_31 = arith.maximumf %add3A_29, %max3A_30 : vector<500x100xf32>
    %abs3A = math.absf %add3A_29 : vector<500x100xf32>
    %neg3A = arith.constant 0.000000e+00 : f32
    %neg3A_32 = vector.broadcast %neg3A : f32 to vector<500x100xf32>
    %neg3A_33 = arith.subf %neg3A_32, %abs3A : vector<500x100xf32>
    %exp3A = math.exp %neg3A_33 : vector<500x100xf32>
    %add3A_34 = arith.constant 1.000000e+00 : f32
    %add3A_35 = vector.broadcast %add3A_34 : f32 to vector<500x100xf32>
    %add3A_36 = arith.addf %add3A_35, %exp3A : vector<500x100xf32>
    %log3A = math.log %add3A_36 : vector<500x100xf32>
    %add3A_37 = arith.addf %max3A_31, %log3A : vector<500x100xf32>
    %reduce_sum3A = vector.shape_cast %add3A_37 : vector<500x100xf32> to vector<1x500x100xf32>
    %reduce_sum3A_38 = arith.constant dense<0.000000e+00> : vector<1xf32>
    %reduce_sum3A_39 = vector.multi_reduction <add>, %reduce_sum3A, %reduce_sum3A_38 [1, 2] : vector<1x500x100xf32> to vector<1xf32>
    %reduce_sum3A_40 = vector.shape_cast %reduce_sum3A_39 : vector<1xf32> to vector<1x1x1xf32>
    %reduce_sum3A_41 = vector.extract %reduce_sum3A_40[0, 0, 0] : f32 from vector<1x1x1xf32>
    %add3A_42 = arith.constant 9.99999968E-21 : f32
    %add3A_43 = arith.addf %reduce_sum3A_41, %add3A_42 : f32
    %div3A = vector.broadcast %add3A_43 : f32 to vector<500x100xf32>
    %div3A_44 = arith.divf %add3A_37, %div3A : vector<500x100xf32>
    %swap3A = arith.constant 0 : index
    %swap3A_45 = arith.constant 0 : index
    %swap3A_46 = vector.load %arg12[%swap3A, %swap3A_45] : memref<500x100xf32, #tpu.memory_space<vmem>>, vector<500x100xf32>
    tpu.vector_store %arg12[%swap3A, %swap3A_45], %div3A_44 {strides = array<i32>} : memref<500x100xf32, #tpu.memory_space<vmem>>, vector<500x100xf32>,
    %get3A_47 = arith.constant 0 : index
    %get3A_48 = arith.constant 0 : index
    %get3A_49 = vector.load %arg4[%get3A_47, %get3A_48] : memref<1600x3xf32, #tpu.memory_space<vmem>>, vector<1600x3xf32>
    %dot_general3A_50 = arith.constant dense<0.000000e+00> : vector<500x3xf32>
    %dot_general3A_51 = tpu.matmul %get3A_11, %get3A_49, %dot_general3A_50 {dimension_numbers = #tpu.dot_dimension_numbers<[1], [0], [0], [1], [0, 0, 1, 1], [], []>, precision = #tpu.contract_precision<fp32>, transpose_lhs_hint = false} : vector<500x1600xf32>, vector<1600x3xf32>, vector<500x3xf32> -> vector<500x3xf32>
    %get3A_52 = arith.constant 0 : index
    %get3A_53 = arith.constant 0 : index
    %get3A_54 = vector.load %arg5[%get3A_52, %get3A_53] : memref<3200x3xf32, #tpu.memory_space<vmem>>, vector<3200x3xf32>
    %dot_general3A_55 = arith.constant dense<0.000000e+00> : vector<500x3xf32>
    %dot_general3A_56 = tpu.matmul %add3A, %get3A_54, %dot_general3A_55 {dimension_numbers = #tpu.dot_dimension_numbers<[1], [0], [0], [1], [0, 0, 1, 1], [], []>, precision = #tpu.contract_precision<fp32>, transpose_lhs_hint = false} : vector<500x3200xf32>, vector<3200x3xf32>, vector<500x3xf32> -> vector<500x3xf32>
    %add3A_57 = arith.addf %dot_general3A_51, %dot_general3A_56 : vector<500x3xf32>
    %get3A_58 = arith.constant 0 : index
    %get3A_59 = arith.constant 0 : index
    %get3A_60 = vector.load %arg9[%get3A_58, %get3A_59] : memref<1x1xf32, #tpu.memory_space<vmem>>, vector<1x1xf32>
    %add3A_61 = vector.broadcast %get3A_60 : vector<1x1xf32> to vector<500x3xf32>
    %add3A_62 = arith.addf %add3A_57, %add3A_61 : vector<500x3xf32>
    %add3A_63 = arith.constant 9.99999968E-21 : f32
    %add3A_64 = vector.broadcast %add3A_63 : f32 to vector<500x3xf32>
    %add3A_65 = arith.addf %add3A_62, %add3A_64 : vector<500x3xf32>
    %max3A_66 = arith.constant 0.000000e+00 : f32
    %max3A_67 = vector.broadcast %max3A_66 : f32 to vector<500x3xf32>
    %max3A_68 = arith.maximumf %add3A_65, %max3A_67 : vector<500x3xf32>
    %abs3A_69 = math.absf %add3A_65 : vector<500x3xf32>
    %neg3A_70 = arith.constant 0.000000e+00 : f32
    %neg3A_71 = vector.broadcast %neg3A_70 : f32 to vector<500x3xf32>
    %neg3A_72 = arith.subf %neg3A_71, %abs3A_69 : vector<500x3xf32>
    %exp3A_73 = math.exp %neg3A_72 : vector<500x3xf32>
    %add3A_74 = arith.constant 1.000000e+00 : f32
    %add3A_75 = vector.broadcast %add3A_74 : f32 to vector<500x3xf32>
    %add3A_76 = arith.addf %add3A_75, %exp3A_73 : vector<500x3xf32>
    %log3A_77 = math.log %add3A_76 : vector<500x3xf32>
    %add3A_78 = arith.addf %max3A_68, %log3A_77 : vector<500x3xf32>
    %add3A_79 = arith.constant 9.99999968E-21 : f32
    %add3A_80 = vector.broadcast %add3A_79 : f32 to vector<500x3xf32>
    %add3A_81 = arith.addf %add3A_78, %add3A_80 : vector<500x3xf32>
    %get3A_82 = arith.constant 0 : index
    %get3A_83 = arith.constant 0 : index
    %get3A_84 = vector.load %arg6[%get3A_82, %get3A_83] : memref<1600x3xf32, #tpu.memory_space<vmem>>, vector<1600x3xf32>
    %dot_general3A_85 = arith.constant dense<0.000000e+00> : vector<500x3xf32>
    %dot_general3A_86 = tpu.matmul %get3A_11, %get3A_84, %dot_general3A_85 {dimension_numbers = #tpu.dot_dimension_numbers<[1], [0], [0], [1], [0, 0, 1, 1], [], []>, precision = #tpu.contract_precision<fp32>, transpose_lhs_hint = false} : vector<500x1600xf32>, vector<1600x3xf32>, vector<500x3xf32> -> vector<500x3xf32>
    %get3A_87 = arith.constant 0 : index
    %get3A_88 = arith.constant 0 : index
    %get3A_89 = vector.load %arg7[%get3A_87, %get3A_88] : memref<3200x3xf32, #tpu.memory_space<vmem>>, vector<3200x3xf32>
    %dot_general3A_90 = arith.constant dense<0.000000e+00> : vector<500x3xf32>
    %dot_general3A_91 = tpu.matmul %add3A, %get3A_89, %dot_general3A_90 {dimension_numbers = #tpu.dot_dimension_numbers<[1], [0], [0], [1], [0, 0, 1, 1], [], []>, precision = #tpu.contract_precision<fp32>, transpose_lhs_hint = false} : vector<500x3200xf32>, vector<3200x3xf32>, vector<500x3xf32> -> vector<500x3xf32>
    %add3A_92 = arith.addf %dot_general3A_86, %dot_general3A_91 : vector<500x3xf32>
    %get3A_93 = arith.constant 0 : index
    %get3A_94 = arith.constant 0 : index
    %get3A_95 = vector.load %arg10[%get3A_93, %get3A_94] : memref<1x1xf32, #tpu.memory_space<vmem>>, vector<1x1xf32>
    %add3A_96 = vector.broadcast %get3A_95 : vector<1x1xf32> to vector<500x3xf32>
    %add3A_97 = arith.addf %add3A_92, %add3A_96 : vector<500x3xf32>
    %add3A_98 = arith.constant 9.99999968E-21 : f32
    %add3A_99 = vector.broadcast %add3A_98 : f32 to vector<500x3xf32>
    %add3A_100 = arith.addf %add3A_97, %add3A_99 : vector<500x3xf32>
    %max3A_101 = arith.constant 0.000000e+00 : f32
    %max3A_102 = vector.broadcast %max3A_101 : f32 to vector<500x3xf32>
    %max3A_103 = arith.maximumf %add3A_100, %max3A_102 : vector<500x3xf32>
    %abs3A_104 = math.absf %add3A_100 : vector<500x3xf32>
    %neg3A_105 = arith.constant 0.000000e+00 : f32
    %neg3A_106 = vector.broadcast %neg3A_105 : f32 to vector<500x3xf32>
    %neg3A_107 = arith.subf %neg3A_106, %abs3A_104 : vector<500x3xf32>
    %exp3A_108 = math.exp %neg3A_107 : vector<500x3xf32>
    %add3A_109 = arith.constant 1.000000e+00 : f32
    %add3A_110 = vector.broadcast %add3A_109 : f32 to vector<500x3xf32>
    %add3A_111 = arith.addf %add3A_110, %exp3A_108 : vector<500x3xf32>
    %log3A_112 = math.log %add3A_111 : vector<500x3xf32>
    %add3A_113 = arith.addf %max3A_103, %log3A_112 : vector<500x3xf32>
    %add3A_114 = arith.constant 9.99999968E-21 : f32
    %add3A_115 = vector.broadcast %add3A_114 : f32 to vector<500x3xf32>
    %add3A_116 = arith.addf %add3A_113, %add3A_115 : vector<500x3xf32>
    %add3A_117 = arith.addf %add3A_81, %add3A_116 : vector<500x3xf32>
    %div3A_118 = arith.divf %add3A_81, %add3A_117 : vector<500x3xf32>
    %get3A_119 = arith.constant 0 : index
    %get3A_120 = arith.constant 0 : index
    %get3A_121 = vector.load %arg11[%get3A_119, %get3A_120] : memref<1x3xf32, #tpu.memory_space<vmem>>, vector<1x3xf32>
    %mul3A = vector.broadcast %get3A_121 : vector<1x3xf32> to vector<500x3xf32>
    %mul3A_122 = arith.mulf %div3A_118, %mul3A : vector<500x3xf32>
    %swap3A_123 = arith.constant 0 : index
    %swap3A_124 = arith.constant 0 : index
    %swap3A_125 = vector.load %arg13[%swap3A_123, %swap3A_124] : memref<500x3xf32, #tpu.memory_space<vmem>>, vector<500x3xf32>
    tpu.vector_store %arg13[%swap3A_123, %swap3A_124], %mul3A_122 {strides = array<i32>} : memref<500x3xf32, #tpu.memory_space<vmem>>, vector<500x3xf32>,
    return
  }
}

</mosaic_0001>

<sc_bundles>
// kernel: kernel.10.cloned.1.call-start
scs
__scs_entry_jumppad:
0x0: {  	(pc) =	sbr.rel $0x88, $3  }
0x1: {  	(tag) =	ssettag $0x0;
	lr =	simm.s32 $0x1  }
0x2: {  	[smem:$0x3F93] =	sst lr;
	_ =	strace $0xD0000000  }
0x3: {  	_ = 	snop  }
0x4: {  	_ = 	snop  }
0x5: {  	_ = 	snop  }
0x6: {  	_ = 	snop  }
0x7: {  	_ = 	snop  }
__scs_overlays_trampoline_lowered:
0x8: {  	[smem:$0x3FA2] =	sst s0  }
0x9: {  	[smem:$0x3FA3] =	sst s1  }
0xa: {  	[smem:$0x3FA4] =	sst s2  }
0xb: {  	[smem:$0x3FA5] =	sst s3  }
0xc: {  	[smem:$0x3FA6] =	sst s4  }
0xd: {  	[smem:$0x3FA7] =	sst s5  }
0xe: {  	[smem:$0x3FA8] =	sst s6  }
0xf: {  	[smem:$0x3FA9] =	sst s7  }
0x10: {  	[smem:$0x3FAA] =	sst s8  }
0x11: {  	[smem:$0x3FAB] =	sst s9;
	s0 =	simm.s32 @!p0 $0x0  }
0x12: {  	s1 =	sld [smem:$0x3F91];
	s0 =	simm.s32 @p0 $0x1  }
0x13: {  	[smem:$0x3FAC] =	sst s0;
	s0 =	simm.s32 @!p1 $0x0  }
0x14: {  	s2 =	sld [smem:$0x3F90];
	s0 =	simm.s32 @p1 $0x1  }
0x15: {  	[smem:$0x3FAD] =	sst s0;
	s0 =	simm.s32 @!p2 $0x0  }
0x16: {  	s3 =	sld [smem:$0x3FDB];
	s0 =	simm.s32 @p2 $0x1  }
0x17: {  	s4 =	simm.s32 $0x1BF5;
	[smem:$0x3FAF] =	sst s0  }
0x18: {  	s0 =	sld [smem:$0x3F92];
	_ =	swait.ge [sflag:s4], $0x0  }
0x19: {  	s7 =	sld [smem:$0x3F93]  }
0x1a: {  	s8 =	sadd.s32 $0xFFFFE003, lr  }
0x1b: {  	s9 =	sadd.s32 $0xFFFFFEF7, lr;
	s5 =	simm.s32 $0xFFFFFFFF;
	p2 =	slt.u32 s8, $0xFFFFF086  }
0x1c: {  	p1 =	slt.u32 s9, $0xF7A;
	s5 =	simm.s32 @!p2 $0x0  }
0x1d: {  	s5 =	simm.s32 @p1 $0x1;
	p0 =	seq.s32 s7, s2  }
0x1e: {  	s7 =	smul.u32 @!p0 $0xF7A, s2;
	p2 =	seq.s32 @!p0 s5, $0x0  }
0x1f: {  	s9 =	smul.u32 $0xF7A, s1;
	s8 =	simm.s32 @!p0 $0x1BF5;
	p2 =	por !p2, p0  }
0x20: {  	[sflag:s8] =	ssyncset.s32 @!p0 $0xFFFFF086;
	s6 =	sadd.s32 @!p0 s3, s7;
	s7 =	simm.s32 @!p0 $0x108  }
0x21: {  	s3 =	sadd.s32 s3, s9;
	s6 =	sadd.s32 @!p0 $0x88, s6;
	s7 =	simm.s32 @p2 $0x1082  }
0x22: {  	[simem:s7], [sflag:s8] =	dma.local @!p0 [hbm:s6], $0xF7A  }
0x23: {  	s9 =	sor.u32 $0xD0000000, s2;
	s6 =	simm.s32 $0x108;
	_ =	swait.ge @!p0 [sflag:s8], $0x0  }
0x24: {  	s3 =	sadd.s32 $0x88, s3;
	s6 =	simm.s32 @!p1 $0x1082;
	[sflag:s4] =	ssyncset.s32 $0xFFFFF086  }
0x25: {  	[simem:s6], [sflag:s4] =	dma.local [hbm:s3], $0xF7A  }
0x26: {  	[smem:$0x3F93] =	sst s1;
	(tag) =	ssettag s2;
	_ =	strace s9  }
0x27: {  	s1 =	sld [smem:$0x3FA3]  }
0x28: {  	s2 =	sld [smem:$0x3FA4]  }
0x29: {  	s4 =	sld [smem:$0x3FA6]  }
0x2a: {  	p0 =	seq.s32 s5, $0x0;
	s5 =	sld [smem:$0x3FA7]  }
0x2b: {  	s6 =	sld [smem:$0x3FA8]  }
0x2c: {  	s7 =	sld [smem:$0x3FA9]  }
0x2d: {  	s3 =	simm.s32 $0x108;
	s8 =	sld [smem:$0x3FAA]  }
0x2e: {  	s3 =	simm.s32 @!p0 $0x1082;
	s9 =	sld [smem:$0x3FAB]  }
0x2f: {  	lr =	sadd.s32 s0, s3;
	s0 =	sld [smem:$0x3FA2]  }
0x30: {  	s3 =	sld [smem:$0x3FA5]  }
0x31: {  	[smem:$0x3FAE] =	sst s10  }
0x32: {  	s10 =	sld [smem:$0x3FAC];
	_ =	sdelay $0x3  }
0x33: {  	p0 =	seq.s32 s10, $0x1;
	s10 =	sld [smem:$0x3FAE];
	_ =	sdelay $0x3  }
0x34: {  	[smem:$0x3FAE] =	sst s10  }
0x35: {  	s10 =	sld [smem:$0x3FAD];
	_ =	sdelay $0x3  }
0x36: {  	p1 =	seq.s32 s10, $0x1;
	s10 =	sld [smem:$0x3FAE];
	_ =	sdelay $0x3  }
0x37: {  	[smem:$0x3FAE] =	sst s10  }
0x38: {  	s10 =	sld [smem:$0x3FAF]  }
0x39: {  	_ = 	snop;
	(pc) =	sbr.ind lr, $3  }
0x3a: {  	_ = 	snop  }
0x3b: {  	_ = 	snop  }
0x3c: {  	p2 =	seq.s32 s10, $0x1;
	s10 =	sld [smem:$0x3FAE]  }
0x3d: {  	_ =	shalt  }
0x3e: {  	_ =	shalt  }
0x3f: {  	_ =	shalt  }
0x40: {  	_ =	shalt  }
0x41: {  	_ =	shalt  }
0x42: {  	_ =	shalt  }
0x43: {  	_ =	shalt  }
0x44: {  	_ =	shalt  }
0x45: {  	_ =	shalt  }
0x46: {  	_ =	shalt  }
0x47: {  	_ =	shalt  }
0x48: {  	_ =	shalt  }
0x49: {  	_ =	shalt  }
0x4a: {  	_ =	shalt  }
0x4b: {  	_ =	shalt  }
0x4c: {  	_ =	shalt  }
0x4d: {  	_ =	shalt  }
0x4e: {  	_ =	shalt  }
0x4f: {  	_ =	shalt  }
0x50: {  	_ =	shalt  }
0x51: {  	_ =	shalt  }
0x52: {  	_ =	shalt  }
0x53: {  	_ =	shalt  }
0x54: {  	_ =	shalt  }
0x55: {  	_ =	shalt  }
0x56: {  	_ =	shalt  }
0x57: {  	_ =	shalt  }
0x58: {  	_ =	shalt  }
0x59: {  	_ =	shalt  }
0x5a: {  	_ =	shalt  }
0x5b: {  	_ =	shalt  }
0x5c: {  	_ =	shalt  }
0x5d: {  	_ =	shalt  }
0x5e: {  	_ =	shalt  }
0x5f: {  	_ =	shalt  }
0x60: {  	_ =	shalt  }
0x61: {  	_ =	shalt  }
0x62: {  	_ =	shalt  }
0x63: {  	_ =	shalt  }
0x64: {  	_ =	shalt  }
0x65: {  	_ =	shalt  }
0x66: {  	_ =	shalt  }
0x67: {  	_ =	shalt  }
0x68: {  	_ =	shalt  }
0x69: {  	_ =	shalt  }
0x6a: {  	_ =	shalt  }
0x6b: {  	_ =	shalt  }
0x6c: {  	_ =	shalt  }
0x6d: {  	_ =	shalt  }
0x6e: {  	_ =	shalt  }
0x6f: {  	_ =	shalt  }
0x70: {  	_ =	shalt  }
0x71: {  	_ =	shalt  }
0x72: {  	_ =	shalt  }
0x73: {  	_ =	shalt  }
0x74: {  	_ =	shalt  }
0x75: {  	_ =	shalt  }
0x76: {  	_ =	shalt  }
0x77: {  	_ =	shalt  }
0x78: {  	_ =	shalt  }
0x79: {  	_ =	shalt  }
0x7a: {  	_ =	shalt  }
0x7b: {  	_ =	shalt  }
0x7c: {  	_ =	shalt  }
0x7d: {  	_ =	shalt  }
0x7e: {  	_ =	shalt  }
0x7f: {  	_ =	shalt  }
0x80: {  	_ =	shalt  }
0x81: {  	_ =	shalt  }
0x82: {  	_ =	shalt  }
0x83: {  	_ =	shalt  }
0x84: {  	_ =	shalt  }
0x85: {  	_ =	shalt  }
0x86: {  	_ =	shalt  }
0x87: {  	_ =	shalt  }
.Lfunc_end0:
.L_simem_size_0:
called_computation.1_lowered:
.L_overlay_start_0:
0x88: {  	s2 =	sld [smem:$0x3FD9]  }
0x89: {  	s3 =	sld [smem:$0x3FFE];
	_ =	sdelay $0x1  }
0x8a: {  	s1 =	srdreg.scid  }
0x8b: {  	s0 =	sand.u32 $0x1, s1  }
0x8c: {  	s17 =	sshll.u32 s0, $0xA;
	s2 =	sadd.s32 s3, s2  }
0x8d: {  	s2 =	sadd.s32 s2, s17  }
0x8e: {  	[smem:$0x3FBA] =	sst s2  }
0x8f: {  	_ = 	snop  }
0x90: {  	s18 =	sld [smem:$0x3FC7];
	(tm) =	ssettm $0x1  }
0x91: {  	s19 =	sld [smem:$0x3FFB];
	_ =	sdelay $0x3  }
0x92: {  	_ =	strace s19  }
0x93: {  	s2 =	sld [smem:$0x3FFC];
	_ =	sdelay $0x3  }
0x94: {  	_ =	strace s2  }
0x95: {  	s2 =	sld [smem:$0x3FFD];
	_ =	sdelay $0x3  }
0x96: {  	_ =	strace s2  }
0x97: {  	_ =	strace $0x8FFFFFFF  }
0x98: {  	s20 =	sld [smem:$0x3FDB];
	_ =	sdelay $0x1  }
0x99: {  	s4 =	simm.s32 $_scs_section_size  }
0x9a: {  	s5 =	simm.s32 $_size__tile_overlayer_lowered;
	s6 =	simm.s32 $_tile_overlayer_lowered  }
0x9b: {  	s7 =	simm.s32 $0x1BFF;
	s21 =	sshll.u32 s6, $0x1;
	s4 =	sadd.s32 s4, s20  }
0x9c: {  	s22 =	simm.s32 $0x0;
	s5 =	sshll.u32 s5, $0x1;
	s6 =	sadd.s32 s21, s4  }
0x9d: {  	[timem:s22], [sflag:s7] =	dma.local [hbm:s6], s5  }
0x9e: {  	_ =	swait.ge [sflag:s7], s5  }
0x9f: {  	s5 =	ssub.s32 $0x0, s5;
	[sflag:s7] =	ssyncset.done $0x0  }
0xa0: {  	[sflag:s7] =	ssyncadd.s32 s5;
	_ =	sdelay $0x1  }
0xa1: {  	s23 =	simm.s32 $0x1B8B  }
0xa2: {  	_ =	swait.ge [sflag:s23], $0x1  }
0xa3: {  	[sflag:s23] =	ssyncset.done $0x0  }
0xa4: {  	[sflag:s23] =	ssyncadd.s32 $0xFFFFFFFF  }
0xa5: {  	s5 =	sld [smem:$0x0]  }
0xa6: {  	s6 =	sand.u32 $0xFFFFFFFE, s1  }
0xa7: {  	p0 =	sne.s32 s1, s6  }
0xa8: {  	s6 =	sshll.u32 @p0 s6, $0xE  }
0xa9: {  	s6 =	sadd.s32 @p0 $0x11B8D, s6;
	s7 =	sshll.u32 @p0 s5, $0x11  }
0xaa: {  	s6 =	sor.u32 @p0 s7, s6  }
0xab: {  	[sflag:s6] =	ssyncadd.remote.s32 @p0 $0x1;
	_ =	sdelay $0x1  }
0xac: {  	s6 =	simm.s32 @p0 $0x1B8D  }
0xad: {  	_ =	swait.eq @p0 [sflag:s6], $0x1  }
0xae: {  	[sflag:s6] =	ssyncadd.s32 @p0 $0xFFFFFFFF  }
0xaf: {  	s7 =	sshll.u32 @!p0 s1, $0xE  }
0xb0: {  	s7 =	sor.u32 @!p0 $0x4000, s7;
	s6 =	simm.s32 @!p0 $0x1B8D  }
0xb1: {  	s5 =	sshll.u32 @!p0 s5, $0x11;
	s7 =	sadd.s32 @!p0 $0x11B8D, s7;
	_ =	swait.eq @!p0 [sflag:s6], $0x1  }
0xb2: {  	s5 =	sor.u32 @!p0 s5, s7;
	[sflag:s6] =	ssyncadd.s32 @!p0 $0xFFFFFFFF  }
0xb3: {  	s25 =	simm.s32 $0x1B8E;
	s24 =	sld [smem:$0x3FFE];
	[sflag:s5] =	ssyncadd.remote.s32 @!p0 $0x1  }
0xb4: {  	s26 =	simm.s32 $execute0_lowered;
	[smem:$0x3FD2] =	sst s25  }
0xb5: {  	s6 =	sshll.u32 s26, $0x1;
	_ =	strace $0x80000049;
	[dreg:$0x1] =	wrdreg $0xFFFFFFFF  }
0xb6: {  	s28 =	simm.s32 $_size_execute0_lowered;
	s4 =	sadd.s32 s4, s6;
	[dreg:$0x0] =	wrdreg $0x0  }
0xb7: {  	s6 =	sshll.u32 s28, $0x1;
	[dreg:$0x2] =	wrdreg s4  }
0xb8: {  	[dreg:$0x3] =	wrdreg s6  }
0xb9: {  	[dreg:$0x4] =	wrdreg $0xC0  }
0xba: {  	_ =	task [dreg:s22], $0x5FFFF  }
0xbb: {  	[dreg:$0x1] =	wrdreg $0xFFFFFFFF  }
0xbc: {  	[dreg:$0x0] =	wrdreg $0x60  }
0xbd: {  	[dreg:$0x2] =	wrdreg s18  }
0xbe: {  	[dreg:$0x3] =	wrdreg s24  }
0xbf: {  	[dreg:$0x4] =	wrdreg $0xA  }
0xc0: {  	_ =	task.clear_ibuf [dreg:s22], $0x5FFFF;
	_ =	strace $0x90000049  }
0xc1: {  	s29 =	simm.s32 $0xA;
	_ =	strace $0x8000004B  }
0xc2: {  	_ =	swait.ge [sflag:s29], $0x1  }
0xc3: {  	[sflag:s29] =	ssyncadd.s32 $0xFFFFFFFF  }
0xc4: {  	_ =	strace $0x9000004B  }
0xc5: {  	_ =	sfence  }
0xc6: {  	s30 =	sld [smem:$0x0];
	_ =	sdelay $0x2  }
0xc7: {  	s31 =	sshll.u32 s1, $0xD;
	s1 =	sshrl.u32 s1, $0x2  }
0xc8: {  	s4 =	sand.u32 $0x4000, s31;
	s1 =	sadd.s32 s1, s30  }
0xc9: {  	s0 =	sor.u32 s4, s0;
	s1 =	sshll.u32 s1, $0x11  }
0xca: {  	s0 =	sor.u32 s1, s0  }
0xcb: {  	s0 =	sadd.s32 $0x8F2B, s0  }
0xcc: {  	[sflag:s0] =	ssyncadd.remote.s32 $0x1  }
0xcd: {  	_ =	sfence.sel $0xFFFF  }
0xce: {  	[dreg:$0x0] =	wrdreg $0xFFFFFFFF;
	(pc) =	sbr.abs _section_cstart, $3  }
0xcf: {  	[dreg:$0x1] =	wrdreg $0xFFFFFFFF  }
0xd0: {  	_ =	task.clear_ibuf [dreg:s22], $0x2FFFF;
	_ =	strace $0x9FFFFFFF  }
0xd1: {  	(tm) =	ssettm $0x7FFFFFFF  }
tec
execute0_lowered:
.L_overlay_start_1:
0x0: {  	(tag) =	ssettag $0x1  }
0x1: {  	s1 =	rddreg [dreg:$0x0]  }
0x2: {  	s7 =	rddreg [dreg:$0x1];
	s3 =	srdreg.scid  }
0x3: {  	s0 =	rddreg [dreg:$0x2];
	s2 =	simm.s32 $0x0;
	s4 =	stileid.u32  }
0x4: {  	s10 =	simm.s32 $0x1C200;
	s11 =	simm.s32 $0x1;
	s12 =	simm.s32 $0x2  }
.Ltmp0:
0x5: {  	s13 =	simm.s32 $0x3200;
	s3 =	sand.u32 $0x1, s3;
	(pc) =	sbr.rel .LBB2_1-.Ltmp0, $4  }
0x6: {  	s14 =	simm.s32 $0xFA00;
	s15 =	simm.s32 $0x0;
	s8 =	ssub.s32 $0x2, s3  }
0x7: {  	[smem:$0x7FF] =	sst s2;
	s5 =	sadd.s32 $0x75B200, s7;
	s9 =	sshrl.u32 s8, $0x1  }
0x8: {  	s6 =	sadd.s32 $0x75B400, s7;
	s7 =	sadd.s32 $0xA68800, s7;
	s9 =	ssub.s32 s8, s9  }
0x9: {  	_ =	strace $0x8000004A;
	s8 =	sshll.u32 s4, $0x1;
	s9 =	smax.u32 s9, $0x1  }
.LBB2_7:
0xa: {  	s15 =	sadd.s32 $0x1, s15  }
0xb: {  	p0 =	sne.s32 s15, s9  }
.Ltmp1:
0xc: {  	_ = 	snop;
	(pc) =	sbr.rel @!p0 .LBB2_8-.Ltmp1, $1  }
0xd: {  	_ =	sdelay $0x3  }
.LBB2_1:
0xe: {  	[tilespmem:s10], [sflag:$0x1] =	stream.linear.gather [hbm4b:s5+s2], $0x80, $0x38;
	[tilespmem:$0x1C280] =	vst v63  }
0xf: {  	_ =	swait.ge [sflag:s11], $0x80  }
0x10: {  	[sflag:s11] =	ssyncset.done $0x0  }
0x11: {  	[sflag:s11] =	ssyncadd.s32 $0xFFFFFF80  }
0x12: {  	v0 =	vld [tilespmem:$0x1C200]  }
0x13: {  	v1 =	vld [tilespmem:$0x1C210]  }
0x14: {  	v2 =	vld [tilespmem:$0x1C220]  }
.Ltmp2:
0x15: {  	v3 =	vld [tilespmem:$0x1C230];
	(pc) =	sbr.rel .LBB2_2-.Ltmp2, $4  }
0x16: {  	v4 =	vld [tilespmem:$0x1C240]  }
0x17: {  	v5 =	vld [tilespmem:$0x1C250]  }
0x18: {  	v6 =	vld [tilespmem:$0x1C260]  }
0x19: {  	s16 =	simm.s32 $0x0;
	v7 =	vld [tilespmem:$0x1C270]  }
.LBB2_6:
0x1a: {  	s16 =	sadd.s32 $0x1, s16  }
0x1b: {  	p0 =	sne.s32 s16, $0x10  }
.Ltmp3:
0x1c: {  	_ = 	snop;
	(pc) =	sbr.rel @!p0 .LBB2_7-.Ltmp3, $1  }
0x1d: {  	_ =	sdelay $0x3  }
.LBB2_2:
0x1e: {  	s17 =	sshll.u32 s16, $0x5  }
0x1f: {  	s17 =	sor.u32 s8, s17  }
0x20: {  	p0 =	sgt.u32 s17, $0x1F3  }
.Ltmp4:
0x21: {  	_ = 	snop;
	(pc) =	sbr.rel @p0 .LBB2_6-.Ltmp4, $1  }
0x22: {  	_ =	sdelay $0x3  }
0x23: {  	s17 =	sor.u32 s3, s17  }
0x24: {  	s18 =	smul.u32 $0x640, s17;
	_ =	sdelay $0x1  }
0x25: {  	s19 =	sadd.s32 s1, s18;
	s18 =	simm.s32 $0x0  }
0x26: {  	[tilespmem:s18], [sflag:$0x2] =	stream.linear.gather [hbm4b:s19+s18], $0x3200, $0x38;
	[tilespmem:$0x1C280] =	vst v63  }
0x27: {  	_ =	swait.ge [sflag:s12], $0x3200  }
0x28: {  	s20 =	simm.s32 $0xFA80;
	[sflag:s12] =	ssyncset.done $0x0  }
0x29: {  	s21 =	simm.s32 $0x0;
	s19 =	simm.s32 $0x3280;
	[sflag:s12] =	ssyncadd.s32 $0xFFFFCE00  }
.LBB2_4:
0x2a: {  	s22 =	sand.u32 $0x70, s18;
	s23 =	sand.u32 $0x3E00, s21  }
0x2b: {  	s22 =	sor.u32 s22, s23  }
0x2c: {  	v11 =	vld [tilespmem:s22+$0x0]  }
0x2d: {  	v10 =	vld [tilespmem:s22+$0x80]  }
0x2e: {  	v9 =	vld [tilespmem:s22+$0x100]  }
0x2f: {  	v8 =	vld [tilespmem:s22+$0x180];
	_ =	sdelay $0x2  }
0x30: {  	v12 =	vbroadcast v11, $0x0  }
0x31: {  	v13 =	vbroadcast v10, $0x0;
	v14 =	vbroadcast v9, $0x0  }
0x32: {  	v15 =	vbroadcast v8, $0x0;
	v25 =	vbroadcast v11, $0x1  }
0x33: {  	v20 =	vbroadcast v10, $0x1;
	v27 =	vbroadcast v9, $0x1  }
0x34: {  	v28 =	vbroadcast v8, $0x1;
	v33 =	vbroadcast v11, $0x2  }
0x35: {  	v34 =	vbroadcast v10, $0x2;
	v35 =	vbroadcast v9, $0x2  }
0x36: {  	v36 =	vbroadcast v8, $0x2;
	v42 =	vbroadcast v11, $0x3  }
0x37: {  	v43 =	vbroadcast v10, $0x3;
	v45 =	vbroadcast v9, $0x3  }
0x38: {  	v46 =	vbroadcast v8, $0x3;
	v52 =	vbroadcast v11, $0x4  }
0x39: {  	v53 =	vbroadcast v10, $0x4;
	v54 =	vbroadcast v9, $0x4  }
0x3a: {  	v55 =	vbroadcast v8, $0x4;
	v61 =	vbroadcast v11, $0x5  }
0x3b: {  	v62 =	vbroadcast v10, $0x5;
	v63 =	vbroadcast v9, $0x5  }
0x3c: {  	v16 =	vmul.f32 v12, v0;
	v17 =	vmul.f32 v13, v2  }
0x3d: {  	v18 =	vmul.f32 v14, v4;
	v19 =	vmul.f32 v15, v6  }
0x3e: {  	v12 =	vmul.f32 v12, v1;
	v13 =	vmul.f32 v13, v3  }
0x3f: {  	v14 =	vmul.f32 v14, v5;
	v15 =	vmul.f32 v15, v7  }
0x40: {  	v29 =	vmul.f32 v25, v0;
	v21 =	vmul.f32 v20, v2  }
0x41: {  	v30 =	vmul.f32 v27, v4;
	v22 =	vmul.f32 v28, v6  }
0x42: {  	v31 =	vmul.f32 v25, v1;
	v32 =	vmul.f32 v20, v3  }
0x43: {  	v23 =	vmul.f32 v33, v0;
	v24 =	vmul.f32 v34, v2  }
0x44: {  	v37 =	vmul.f32 v35, v4;
	v25 =	vmul.f32 v36, v6  }
0x45: {  	v38 =	vmul.f32 v33, v1;
	v39 =	vmul.f32 v34, v3  }
0x46: {  	v41 =	vmul.f32 v36, v7;
	v47 =	vmul.f32 v42, v0  }
0x47: {  	v48 =	vmul.f32 v43, v2;
	v49 =	vmul.f32 v45, v4  }
0x48: {  	v50 =	vmul.f32 v42, v1;
	v51 =	vmul.f32 v43, v3  }
0x49: {  	v56 =	vmul.f32 v52, v0;
	v57 =	vmul.f32 v54, v4  }
0x4a: {  	v58 =	vmul.f32 v53, v3;
	v59 =	vmul.f32 v54, v5  }
0x4b: {  	v60 =	vmul.f32 v55, v7;
	v33 =	vbroadcast v8, $0x5  }
0x4c: {  	v34 =	vmul.f32 v63, v4;
	v42 =	vbroadcast v9, $0x6;
	v16 =	vadd.f32 v17, v16  }
0x4d: {  	v43 =	vbroadcast v8, $0x6;
	v12 =	vadd.f32 v13, v12;
	v40 =	vadd.f32 v24, v23  }
0x4e: {  	v20 =	vadd.f32 v51, v50;
	v24 =	vmul.f32 v42, v5;
	v50 =	vbroadcast v10, $0x7  }
0x4f: {  	v51 =	vbroadcast v9, $0x7;
	v26 =	vadd.f32 v18, v16;
	v16 =	vmul.f32 v27, v5  }
0x50: {  	v12 =	vadd.f32 v14, v12;
	v18 =	vmul.f32 v28, v7;
	v27 =	vmul.f32 v53, v2  }
0x51: {  	v14 =	vadd.f32 v21, v29;
	v28 =	vmul.f32 v55, v6;
	v21 =	vmul.f32 v52, v1  }
0x52: {  	v44 =	vadd.f32 v37, v40;
	v29 =	vmul.f32 v61, v0;
	v37 =	vmul.f32 v63, v5  }
0x53: {  	v40 =	vbroadcast v10, $0x6;
	v52 =	vbroadcast v8, $0x7  }
0x54: {  	v54 =	vmul.f32 v51, v4;
	v55 =	vmul.f32 v50, v3;
	v13 =	vadd.f32 v19, v26  }
0x55: {  	v12 =	vadd.f32 v15, v12;
	v15 =	vadd.f32 v32, v31;
	v19 =	vmul.f32 v35, v5  }
0x56: {  	v14 =	vadd.f32 v30, v14;
	v26 =	vmul.f32 v46, v6;
	v30 =	vmul.f32 v62, v2  }
0x57: {  	v17 =	vadd.f32 v25, v44;
	v31 =	vmul.f32 v33, v6;
	v35 =	vmul.f32 v62, v3  }
0x58: {  	v21 =	vadd.f32 v58, v21;
	v32 =	vmul.f32 v43, v6;
	v58 =	vbroadcast v11, $0x8  }
0x59: {  	v16 =	vadd.f32 v16, v15;
	v15 =	vadd.f32 v22, v14;
	v22 =	vmul.f32 v46, v7  }
0x5a: {  	v23 =	vadd.f32 v59, v21;
	v46 =	vmul.f32 v42, v4;
	v59 =	vbroadcast v10, $0x8  }
0x5b: {  	v62 =	vmul.f32 v58, v0;
	v42 =	vbroadcast v11, $0x9;
	v14 =	vadd.f32 v18, v16  }
0x5c: {  	v16 =	vadd.f32 v39, v38;
	v18 =	vmul.f32 v45, v5;
	v38 =	vmul.f32 v33, v7  }
0x5d: {  	v36 =	vadd.f32 v30, v29;
	v39 =	vbroadcast v11, $0x6;
	v45 =	vmul.f32 v40, v2  }
0x5e: {  	v33 =	vmul.f32 v50, v2;
	v30 =	vmul.f32 v42, v1;
	v16 =	vadd.f32 v19, v16  }
0x5f: {  	v19 =	vadd.f32 v48, v47;
	v18 =	vadd.f32 v18, v20;
	v44 =	vmul.f32 v39, v0  }
0x60: {  	v20 =	vadd.f32 v27, v56;
	v47 =	vmul.f32 v39, v1;
	v48 =	vmul.f32 v40, v3  }
0x61: {  	v56 =	vmul.f32 v51, v5;
	v39 =	vmul.f32 v59, v3;
	v16 =	vadd.f32 v41, v16  }
0x62: {  	v51 =	vbroadcast v11, $0xA;
	v19 =	vadd.f32 v49, v19;
	v18 =	vadd.f32 v22, v18  }
0x63: {  	v20 =	vadd.f32 v57, v20;
	v22 =	vmul.f32 v61, v1;
	v49 =	vbroadcast v11, $0x7  }
0x64: {  	v41 =	vadd.f32 v34, v36;
	v34 =	vmul.f32 v52, v6;
	v57 =	vmul.f32 v52, v7  }
0x65: {  	v25 =	vadd.f32 v45, v44;
	v61 =	vbroadcast v8, $0x8;
	v44 =	vbroadcast v9, $0x9  }
0x66: {  	v45 =	vbroadcast v8, $0x9;
	v52 =	vbroadcast v10, $0xA  }
0x67: {  	v19 =	vadd.f32 v26, v19;
	v21 =	vadd.f32 v28, v20;
	v28 =	vmul.f32 v43, v7  }
0x68: {  	v20 =	vadd.f32 v60, v23;
	v53 =	vmul.f32 v49, v0;
	v27 =	vmul.f32 v49, v1  }
0x69: {  	v22 =	vadd.f32 v35, v22;
	v60 =	vbroadcast v9, $0x8;
	v35 =	vmul.f32 v59, v2  }
0x6a: {  	v23 =	vadd.f32 v31, v41;
	v36 =	vmul.f32 v61, v6;
	v41 =	vmul.f32 v61, v7  }
0x6b: {  	v25 =	vadd.f32 v46, v25;
	v43 =	vbroadcast v10, $0x9;
	v46 =	vmul.f32 v42, v0  }
0x6c: {  	v26 =	vadd.f32 v48, v47;
	v47 =	vmul.f32 v44, v4;
	v49 =	vmul.f32 v44, v5  }
0x6d: {  	v50 =	vmul.f32 v45, v7;
	v61 =	vbroadcast v10, $0xB;
	v22 =	vadd.f32 v37, v22  }
0x6e: {  	v24 =	vadd.f32 v24, v26;
	v25 =	vadd.f32 v32, v25;
	v63 =	vmul.f32 v60, v4  }
0x6f: {  	v26 =	vadd.f32 v33, v53;
	v40 =	vmul.f32 v60, v5;
	v37 =	vmul.f32 v43, v2  }
0x70: {  	v27 =	vadd.f32 v55, v27;
	v48 =	vmul.f32 v43, v3;
	v53 =	vbroadcast v9, $0xA  }
0x71: {  	v29 =	vadd.f32 v35, v62;
	v55 =	vmul.f32 v51, v0;
	v32 =	vmul.f32 v51, v1  }
0x72: {  	v60 =	vbroadcast v11, $0xB;
	v62 =	vbroadcast v9, $0xB;
	v22 =	vadd.f32 v38, v22  }
0x73: {  	v24 =	vadd.f32 v28, v24;
	v26 =	vadd.f32 v54, v26;
	v28 =	vmul.f32 v58, v1  }
0x74: {  	v27 =	vadd.f32 v56, v27;
	v38 =	vmul.f32 v45, v6;
	v54 =	vbroadcast v8, $0xA  }
0x75: {  	v29 =	vadd.f32 v63, v29;
	v56 =	vmul.f32 v53, v4;
	v58 =	vmul.f32 v53, v5  }
0x76: {  	v31 =	vadd.f32 v37, v46;
	v63 =	vbroadcast v8, $0xB;
	v44 =	vmul.f32 v60, v0  }
0x77: {  	v30 =	vadd.f32 v48, v30;
	v45 =	vmul.f32 v62, v4;
	v48 =	vmul.f32 v61, v3  }
0x78: {  	[tilespmem:s19+$0xFFFFFF80] =	vst v13;
	v53 =	vbroadcast v11, $0xC;
	v27 =	vadd.f32 v57, v27;
	v28 =	vadd.f32 v39, v28  }
0x79: {  	[tilespmem:s19+$0xFFFFFF90] =	vst v12;
	v29 =	vadd.f32 v36, v29;
	v39 =	vmul.f32 v52, v2;
	v57 =	vmul.f32 v52, v3  }
0x7a: {  	[tilespmem:s19+$0xFFFFFFC0] =	vst v17;
	v31 =	vadd.f32 v47, v31;
	v59 =	vmul.f32 v54, v7;
	v46 =	vmul.f32 v63, v6  }
0x7b: {  	[tilespmem:s19+$0xFFFFFFA0] =	vst v15;
	v30 =	vadd.f32 v49, v30;
	v47 =	vmul.f32 v60, v1;
	v51 =	vmul.f32 v63, v7  }
0x7c: {  	[tilespmem:s19+$0xFFFFFFB0] =	vst v14;
	v36 =	vbroadcast v11, $0xD;
	v28 =	vadd.f32 v40, v28;
	v31 =	vadd.f32 v38, v31  }
0x7d: {  	[tilespmem:s19+$0xFFFFFFD0] =	vst v16;
	v40 =	vmul.f32 v54, v6;
	v30 =	vadd.f32 v50, v30;
	v50 =	vmul.f32 v62, v5  }
0x7e: {  	[tilespmem:s19+$0xFFFFFFF0] =	vst v18;
	v33 =	vadd.f32 v39, v55;
	v54 =	vbroadcast v10, $0xC;
	v55 =	vbroadcast v9, $0xC  }
0x7f: {  	[tilespmem:s19+$0xFFFFFFE0] =	vst v19;
	v32 =	vadd.f32 v57, v32;
	v57 =	vmul.f32 v53, v0;
	v38 =	vbroadcast v10, $0xD  }
0x80: {  	[tilespmem:s20+$0xFFFFFF90] =	vst v20;
	v39 =	vbroadcast v9, $0xD;
	v20 =	vmul.f32 v36, v1  }
0x81: {  	v52 =	vadd.f32 v48, v47;
	v47 =	vbroadcast v10, $0xE;
	v48 =	vbroadcast v9, $0xE  }
0x82: {  	v10 =	vbroadcast v10, $0xF;
	v9 =	vbroadcast v9, $0xF  }
0x83: {  	v28 =	vadd.f32 v41, v28;
	v33 =	vadd.f32 v56, v33;
	v41 =	vmul.f32 v61, v2  }
0x84: {  	v32 =	vadd.f32 v58, v32;
	v56 =	vbroadcast v8, $0xC;
	v58 =	vmul.f32 v54, v2  }
0x85: {  	v61 =	vmul.f32 v53, v1;
	v62 =	vmul.f32 v54, v3  }
0x86: {  	v17 =	vmul.f32 v55, v5;
	v42 =	vmul.f32 v38, v2  }
0x87: {  	v26 =	vadd.f32 v34, v26;
	v43 =	vmul.f32 v39, v4;
	v19 =	vmul.f32 v39, v5  }
0x88: {  	[tilespmem:s20+$0xFFFFFF80] =	vst v21;
	v14 =	vadd.f32 v50, v52;
	v50 =	vmul.f32 v47, v2;
	v52 =	vbroadcast v8, $0xE  }
0x89: {  	[tilespmem:s20+$0xFFFFFFA0] =	vst v23;
	v21 =	vmul.f32 v47, v3;
	v12 =	vadd.f32 v59, v32;
	v59 =	vmul.f32 v55, v4  }
0x8a: {  	[tilespmem:s20+$0xFFFFFFC0] =	vst v25;
	v13 =	vadd.f32 v40, v33;
	v60 =	vmul.f32 v56, v6;
	v63 =	vmul.f32 v56, v7  }
0x8b: {  	[tilespmem:s20+$0xFFFFFFB0] =	vst v22;
	v49 =	vadd.f32 v41, v44;
	v40 =	vbroadcast v8, $0xD;
	v41 =	vmul.f32 v36, v0  }
0x8c: {  	[tilespmem:s20+$0xFFFFFFD0] =	vst v24;
	v14 =	vadd.f32 v51, v14;
	v51 =	vmul.f32 v48, v4;
	v54 =	vmul.f32 v52, v6  }
0x8d: {  	[tilespmem:s20+$0xFFFFFFE0] =	vst v26;
	v16 =	vadd.f32 v58, v57;
	v56 =	vmul.f32 v48, v5;
	v58 =	vmul.f32 v10, v2  }
0x8e: {  	[tilespmem:s20+$0xFFFFFFF0] =	vst v27;
	v18 =	vadd.f32 v62, v61;
	v10 =	vmul.f32 v10, v3;
	v8 =	vbroadcast v8, $0xF  }
0x8f: {  	[tilespmem:s19+$0x0] =	vst v29;
	v61 =	vmul.f32 v52, v7;
	v15 =	vadd.f32 v45, v49;
	v16 =	vadd.f32 v59, v16  }
0x90: {  	[tilespmem:s19+$0x20] =	vst v31;
	v17 =	vadd.f32 v17, v18;
	v44 =	vmul.f32 v40, v6;
	v45 =	vmul.f32 v38, v3  }
0x91: {  	[tilespmem:s19+$0x30] =	vst v30;
	v18 =	vadd.f32 v42, v41;
	v15 =	vadd.f32 v46, v15;
	v46 =	vbroadcast v11, $0xE  }
0x92: {  	[tilespmem:s19+$0x10] =	vst v28;
	v23 =	vmul.f32 v40, v7;
	v16 =	vadd.f32 v60, v16;
	v20 =	vadd.f32 v45, v20  }
0x93: {  	[tilespmem:s19+$0x40] =	vst v13;
	v18 =	vadd.f32 v43, v18;
	v11 =	vbroadcast v11, $0xF;
	v49 =	vmul.f32 v46, v0  }
0x94: {  	[tilespmem:s19+$0x50] =	vst v12;
	v17 =	vadd.f32 v63, v17;
	v19 =	vadd.f32 v19, v20;
	v22 =	vmul.f32 v46, v1  }
0x95: {  	[tilespmem:s19+$0x70] =	vst v14;
	v18 =	vadd.f32 v44, v18;
	v57 =	vmul.f32 v11, v0;
	v53 =	vadd.f32 v50, v49  }
0x96: {  	[tilespmem:s19+$0x60] =	vst v15;
	v11 =	vmul.f32 v11, v1;
	v19 =	vadd.f32 v23, v19;
	v55 =	vadd.f32 v21, v22  }
0x97: {  	v60 =	vmul.f32 v9, v4;
	[tilespmem:s20+$0x0] =	vst v16;
	v59 =	vadd.f32 v58, v57;
	v13 =	vadd.f32 v51, v53  }
0x98: {  	v9 =	vmul.f32 v9, v5;
	[tilespmem:s20+$0x10] =	vst v17;
	v10 =	vadd.f32 v10, v11;
	v12 =	vadd.f32 v56, v55  }
0x99: {  	p0 =	sne.s32 s21, $0x31C0;
	v62 =	vmul.f32 v8, v6;
	[tilespmem:s20+$0x20] =	vst v18;
	v14 =	vadd.f32 v60, v59;
	v13 =	vadd.f32 v54, v13  }
.Ltmp5:
0x9a: {  	v8 =	vmul.f32 v8, v7;
	[tilespmem:s20+$0x30] =	vst v19;
	v9 =	vadd.f32 v9, v10;
	v11 =	vadd.f32 v61, v12;
	(pc) =	sbr.rel @p0 .LBB2_4-.Ltmp5, $4  }
0x9b: {  	v63 =	vadd.f32 v62, v14;
	[tilespmem:s20+$0x40] =	vst v13  }
0x9c: {  	v8 =	vadd.f32 v8, v9;
	[tilespmem:s20+$0x50] =	vst v11  }
0x9d: {  	s18 =	sadd.s32 $0x10, s18;
	[tilespmem:s20+$0x60] =	vst v63  }
0x9e: {  	s21 =	sadd.s32 $0x40, s21;
	s19 =	sadd.s32 $0x100, s19;
	[tilespmem:s20+$0x70] =	vst v8;
	s20 =	sadd.s32 $0x100, s20  }
0x9f: {  	s17 =	smul.u32 $0x1900, s17;
	_ =	sdelay $0x1  }
0xa0: {  	s18 =	sadd.s32 s6, s17  }
0xa1: {  	[hbm4b:s18+s2] =	stream.linear.scatter [tilespmem:s13], [sflag:$0x2], $0xC800, $0x38;
	[tilespmem:$0x1C280] =	vst v63  }
0xa2: {  	_ =	swait.ge [sflag:s12], $0xC800  }
0xa3: {  	[sflag:s12] =	ssyncset.done $0x0  }
.Ltmp6:
0xa4: {  	s17 =	sadd.s32 s7, s17;
	[sflag:s12] =	ssyncadd.s32 $0xFFFF3800;
	(pc) =	sbr.rel .LBB2_6-.Ltmp6, $4  }
0xa5: {  	[hbm4b:s17+s2] =	stream.linear.scatter [tilespmem:s14], [sflag:$0x1], $0xC800, $0x38;
	[tilespmem:$0x1C280] =	vst v63  }
0xa6: {  	_ =	swait.ge [sflag:s11], $0xC800  }
0xa7: {  	[sflag:s11] =	ssyncset.done $0x0  }
0xa8: {  	[sflag:s11] =	ssyncadd.s32 $0xFFFF3800  }
.LBB2_8:
0xa9: {  	_ =	sfence.sel $0x180000  }
0xaa: {  	[bflag:$0x0] =	sbarrier.arrive $0xFFFF  }
0xab: {  	p0 =	sne.s32 s4, $0x0;
	_ =	strace $0x9000004A  }
0xac: {  	s0 =	sadd.s32 @!p0 $0x100000, s0;
	[bflag:$0x2] =	sbarrier.arrive $0xFFFF  }
0xad: {  	[sflag:s0] =	ssyncadd.tile.s32 @!p0 $0x1;
	_ =	shalt  }
.Lfunc_end2:
_tile_overlayer_lowered:
.L_overlay_start_2:
0xae: {  	(tag) =	ssettag $0x2  }
0xaf: {  	s0 =	rddreg [dreg:$0x0];
	s2 =	stileid.u32  }
0xb0: {  	s1 =	rddreg [dreg:$0x1];
	p0 =	sne.s32 s2, $0x0  }
0xb1: {  	s3 =	rddreg [dreg:$0x2];
	[bflag:$0x3] =	sbarrier.arrive $0xFFFF;
	s2 =	simm.s32 @!p0 $0x1C01  }
0xb2: {  	[timem:s3], [sflag:s2] =	dma.local @!p0 [hbm:s0], s1  }
0xb3: {  	s0 =	simm.s32 @!p0 $0x1  }
0xb4: {  	_ =	swait.ge @!p0 [sflag:s0], s1  }
0xb5: {  	s1 =	ssub.s32 @!p0 $0x0, s1;
	[sflag:s0] =	ssyncset.done @!p0 $0x0  }
0xb6: {  	[sflag:s0] =	ssyncadd.s32 @!p0 s1  }
0xb7: {  	[bflag:$0x3] =	sbarrier.arrive $0xFFFF  }
0xb8: {  	_ =	shalt  }

// kernel: kernel.13.cloned.1.call-start
scs
__scs_entry_jumppad:
0x0: {  	(pc) =	sbr.rel $0x88, $3  }
0x1: {  	(tag) =	ssettag $0x0;
	lr =	simm.s32 $0x1  }
0x2: {  	[smem:$0x3F93] =	sst lr;
	_ =	strace $0xD0000000  }
0x3: {  	_ = 	snop  }
0x4: {  	_ = 	snop  }
0x5: {  	_ = 	snop  }
0x6: {  	_ = 	snop  }
0x7: {  	_ = 	snop  }
__scs_overlays_trampoline_lowered:
0x8: {  	[smem:$0x3FA2] =	sst s0  }
0x9: {  	[smem:$0x3FA3] =	sst s1  }
0xa: {  	[smem:$0x3FA4] =	sst s2  }
0xb: {  	[smem:$0x3FA5] =	sst s3  }
0xc: {  	[smem:$0x3FA6] =	sst s4  }
0xd: {  	[smem:$0x3FA7] =	sst s5  }
0xe: {  	[smem:$0x3FA8] =	sst s6  }
0xf: {  	[smem:$0x3FA9] =	sst s7  }
0x10: {  	[smem:$0x3FAA] =	sst s8  }
0x11: {  	[smem:$0x3FAB] =	sst s9;
	s0 =	simm.s32 @!p0 $0x0  }
0x12: {  	s1 =	sld [smem:$0x3F91];
	s0 =	simm.s32 @p0 $0x1  }
0x13: {  	[smem:$0x3FAC] =	sst s0;
	s0 =	simm.s32 @!p1 $0x0  }
0x14: {  	s2 =	sld [smem:$0x3F90];
	s0 =	simm.s32 @p1 $0x1  }
0x15: {  	[smem:$0x3FAD] =	sst s0;
	s0 =	simm.s32 @!p2 $0x0  }
0x16: {  	s3 =	sld [smem:$0x3FDB];
	s0 =	simm.s32 @p2 $0x1  }
0x17: {  	s4 =	simm.s32 $0x1BF5;
	[smem:$0x3FAF] =	sst s0  }
0x18: {  	s0 =	sld [smem:$0x3F92];
	_ =	swait.ge [sflag:s4], $0x0  }
0x19: {  	s7 =	sld [smem:$0x3F93]  }
0x1a: {  	s8 =	sadd.s32 $0xFFFFE003, lr  }
0x1b: {  	s9 =	sadd.s32 $0xFFFFFEF7, lr;
	s5 =	simm.s32 $0xFFFFFFFF;
	p2 =	slt.u32 s8, $0xFFFFF086  }
0x1c: {  	p1 =	slt.u32 s9, $0xF7A;
	s5 =	simm.s32 @!p2 $0x0  }
0x1d: {  	s5 =	simm.s32 @p1 $0x1;
	p0 =	seq.s32 s7, s2  }
0x1e: {  	s7 =	smul.u32 @!p0 $0xF7A, s2;
	p2 =	seq.s32 @!p0 s5, $0x0  }
0x1f: {  	s9 =	smul.u32 $0xF7A, s1;
	s8 =	simm.s32 @!p0 $0x1BF5;
	p2 =	por !p2, p0  }
0x20: {  	[sflag:s8] =	ssyncset.s32 @!p0 $0xFFFFF086;
	s6 =	sadd.s32 @!p0 s3, s7;
	s7 =	simm.s32 @!p0 $0x108  }
0x21: {  	s3 =	sadd.s32 s3, s9;
	s6 =	sadd.s32 @!p0 $0x88, s6;
	s7 =	simm.s32 @p2 $0x1082  }
0x22: {  	[simem:s7], [sflag:s8] =	dma.local @!p0 [hbm:s6], $0xF7A  }
0x23: {  	s9 =	sor.u32 $0xD0000000, s2;
	s6 =	simm.s32 $0x108;
	_ =	swait.ge @!p0 [sflag:s8], $0x0  }
0x24: {  	s3 =	sadd.s32 $0x88, s3;
	s6 =	simm.s32 @!p1 $0x1082;
	[sflag:s4] =	ssyncset.s32 $0xFFFFF086  }
0x25: {  	[simem:s6], [sflag:s4] =	dma.local [hbm:s3], $0xF7A  }
0x26: {  	[smem:$0x3F93] =	sst s1;
	(tag) =	ssettag s2;
	_ =	strace s9  }
0x27: {  	s1 =	sld [smem:$0x3FA3]  }
0x28: {  	s2 =	sld [smem:$0x3FA4]  }
0x29: {  	s4 =	sld [smem:$0x3FA6]  }
0x2a: {  	p0 =	seq.s32 s5, $0x0;
	s5 =	sld [smem:$0x3FA7]  }
0x2b: {  	s6 =	sld [smem:$0x3FA8]  }
0x2c: {  	s7 =	sld [smem:$0x3FA9]  }
0x2d: {  	s3 =	simm.s32 $0x108;
	s8 =	sld [smem:$0x3FAA]  }
0x2e: {  	s3 =	simm.s32 @!p0 $0x1082;
	s9 =	sld [smem:$0x3FAB]  }
0x2f: {  	lr =	sadd.s32 s0, s3;
	s0 =	sld [smem:$0x3FA2]  }
0x30: {  	s3 =	sld [smem:$0x3FA5]  }
0x31: {  	[smem:$0x3FAE] =	sst s10  }
0x32: {  	s10 =	sld [smem:$0x3FAC];
	_ =	sdelay $0x3  }
0x33: {  	p0 =	seq.s32 s10, $0x1;
	s10 =	sld [smem:$0x3FAE];
	_ =	sdelay $0x3  }
0x34: {  	[smem:$0x3FAE] =	sst s10  }
0x35: {  	s10 =	sld [smem:$0x3FAD];
	_ =	sdelay $0x3  }
0x36: {  	p1 =	seq.s32 s10, $0x1;
	s10 =	sld [smem:$0x3FAE];
	_ =	sdelay $0x3  }
0x37: {  	[smem:$0x3FAE] =	sst s10  }
0x38: {  	s10 =	sld [smem:$0x3FAF]  }
0x39: {  	_ = 	snop;
	(pc) =	sbr.ind lr, $3  }
0x3a: {  	_ = 	snop  }
0x3b: {  	_ = 	snop  }
0x3c: {  	p2 =	seq.s32 s10, $0x1;
	s10 =	sld [smem:$0x3FAE]  }
0x3d: {  	_ =	shalt  }
0x3e: {  	_ =	shalt  }
0x3f: {  	_ =	shalt  }
0x40: {  	_ =	shalt  }
0x41: {  	_ =	shalt  }
0x42: {  	_ =	shalt  }
0x43: {  	_ =	shalt  }
0x44: {  	_ =	shalt  }
0x45: {  	_ =	shalt  }
0x46: {  	_ =	shalt  }
0x47: {  	_ =	shalt  }
0x48: {  	_ =	shalt  }
0x49: {  	_ =	shalt  }
0x4a: {  	_ =	shalt  }
0x4b: {  	_ =	shalt  }
0x4c: {  	_ =	shalt  }
0x4d: {  	_ =	shalt  }
0x4e: {  	_ =	shalt  }
0x4f: {  	_ =	shalt  }
0x50: {  	_ =	shalt  }
0x51: {  	_ =	shalt  }
0x52: {  	_ =	shalt  }
0x53: {  	_ =	shalt  }
0x54: {  	_ =	shalt  }
0x55: {  	_ =	shalt  }
0x56: {  	_ =	shalt  }
0x57: {  	_ =	shalt  }
0x58: {  	_ =	shalt  }
0x59: {  	_ =	shalt  }
0x5a: {  	_ =	shalt  }
0x5b: {  	_ =	shalt  }
0x5c: {  	_ =	shalt  }
0x5d: {  	_ =	shalt  }
0x5e: {  	_ =	shalt  }
0x5f: {  	_ =	shalt  }
0x60: {  	_ =	shalt  }
0x61: {  	_ =	shalt  }
0x62: {  	_ =	shalt  }
0x63: {  	_ =	shalt  }
0x64: {  	_ =	shalt  }
0x65: {  	_ =	shalt  }
0x66: {  	_ =	shalt  }
0x67: {  	_ =	shalt  }
0x68: {  	_ =	shalt  }
0x69: {  	_ =	shalt  }
0x6a: {  	_ =	shalt  }
0x6b: {  	_ =	shalt  }
0x6c: {  	_ =	shalt  }
0x6d: {  	_ =	shalt  }
0x6e: {  	_ =	shalt  }
0x6f: {  	_ =	shalt  }
0x70: {  	_ =	shalt  }
0x71: {  	_ =	shalt  }
0x72: {  	_ =	shalt  }
0x73: {  	_ =	shalt  }
0x74: {  	_ =	shalt  }
0x75: {  	_ =	shalt  }
0x76: {  	_ =	shalt  }
0x77: {  	_ =	shalt  }
0x78: {  	_ =	shalt  }
0x79: {  	_ =	shalt  }
0x7a: {  	_ =	shalt  }
0x7b: {  	_ =	shalt  }
0x7c: {  	_ =	shalt  }
0x7d: {  	_ =	shalt  }
0x7e: {  	_ =	shalt  }
0x7f: {  	_ =	shalt  }
0x80: {  	_ =	shalt  }
0x81: {  	_ =	shalt  }
0x82: {  	_ =	shalt  }
0x83: {  	_ =	shalt  }
0x84: {  	_ =	shalt  }
0x85: {  	_ =	shalt  }
0x86: {  	_ =	shalt  }
0x87: {  	_ =	shalt  }
.Lfunc_end0:
.L_simem_size_0:
called_computation.2_lowered:
.L_overlay_start_0:
0x88: {  	s2 =	sld [smem:$0x3FD9]  }
0x89: {  	s3 =	sld [smem:$0x3FFE];
	_ =	sdelay $0x1  }
0x8a: {  	s1 =	srdreg.scid  }
0x8b: {  	s0 =	sand.u32 $0x1, s1  }
0x8c: {  	s16 =	sshll.u32 s0, $0xA;
	s2 =	sadd.s32 s3, s2  }
0x8d: {  	s2 =	sadd.s32 s2, s16  }
0x8e: {  	[smem:$0x3FBA] =	sst s2  }
0x8f: {  	_ = 	snop  }
0x90: {  	(tm) =	ssettm $0x1  }
0x91: {  	s17 =	sld [smem:$0x3FFB];
	_ =	sdelay $0x3  }
0x92: {  	_ =	strace s17  }
0x93: {  	s2 =	sld [smem:$0x3FFC];
	_ =	sdelay $0x3  }
0x94: {  	_ =	strace s2  }
0x95: {  	s2 =	sld [smem:$0x3FFD];
	_ =	sdelay $0x3  }
0x96: {  	_ =	strace s2  }
0x97: {  	_ =	strace $0x8FFFFFFF  }
0x98: {  	s18 =	sld [smem:$0x3FDB];
	_ =	sdelay $0x1  }
0x99: {  	s19 =	simm.s32 $_scs_section_size  }
0x9a: {  	s4 =	simm.s32 $_size__tile_overlayer_lowered;
	s5 =	simm.s32 $_tile_overlayer_lowered  }
0x9b: {  	s22 =	simm.s32 $0x1BFF;
	s21 =	sshll.u32 s5, $0x1;
	s2 =	sadd.s32 s19, s18  }
0x9c: {  	s6 =	simm.s32 $0x0;
	s20 =	sshll.u32 s4, $0x1;
	s4 =	sadd.s32 s21, s2  }
0x9d: {  	[timem:s6], [sflag:s22] =	dma.local [hbm:s4], s20  }
0x9e: {  	_ =	swait.ge [sflag:s22], s20  }
0x9f: {  	s3 =	ssub.s32 $0x0, s20;
	[sflag:s22] =	ssyncset.done $0x0  }
0xa0: {  	[sflag:s22] =	ssyncadd.s32 s3;
	_ =	sdelay $0x1  }
0xa1: {  	s23 =	simm.s32 $0x1B8B  }
0xa2: {  	_ =	swait.ge [sflag:s23], $0x1  }
0xa3: {  	[sflag:s23] =	ssyncset.done $0x0  }
0xa4: {  	s25 =	simm.s32 $0x1B8E;
	s24 =	sld [smem:$0x3FFE];
	[sflag:s23] =	ssyncadd.s32 $0xFFFFFFFF  }
0xa5: {  	s26 =	simm.s32 $execute0_lowered;
	[smem:$0x3FD2] =	sst s25  }
0xa6: {  	s4 =	sshll.u32 s26, $0x1;
	_ =	strace $0x8000004C;
	[dreg:$0x1] =	wrdreg $0xFFFFFFFF  }
0xa7: {  	s28 =	simm.s32 $_size_execute0_lowered;
	s2 =	sadd.s32 s2, s4;
	[dreg:$0x0] =	wrdreg $0x0  }
0xa8: {  	s4 =	sshll.u32 s28, $0x1;
	[dreg:$0x2] =	wrdreg s2  }
0xa9: {  	[dreg:$0x3] =	wrdreg s4  }
0xaa: {  	[dreg:$0x4] =	wrdreg $0xC0  }
0xab: {  	_ =	task [dreg:s6], $0x5FFFF  }
0xac: {  	[dreg:$0x1] =	wrdreg $0xFFFFFFFF  }
0xad: {  	[dreg:$0x0] =	wrdreg $0x60  }
0xae: {  	[dreg:$0x2] =	wrdreg s24  }
0xaf: {  	[dreg:$0x3] =	wrdreg $0x19C80  }
0xb0: {  	[dreg:$0x4] =	wrdreg $0x9  }
0xb1: {  	_ =	task.clear_ibuf [dreg:s6], $0x5FFFF;
	_ =	strace $0x9000004C  }
0xb2: {  	s29 =	simm.s32 $0x9;
	_ =	strace $0x8000004E  }
0xb3: {  	_ =	swait.ge [sflag:s29], $0x1  }
0xb4: {  	[sflag:s29] =	ssyncadd.s32 $0xFFFFFFFF  }
0xb5: {  	_ =	strace $0x9000004E  }
0xb6: {  	_ =	sfence  }
0xb7: {  	s30 =	sld [smem:$0x0];
	_ =	sdelay $0x2  }
0xb8: {  	s31 =	sshll.u32 s1, $0xD;
	s1 =	sshrl.u32 s1, $0x2  }
0xb9: {  	s3 =	sand.u32 $0x4000, s31;
	s1 =	sadd.s32 s1, s30  }
0xba: {  	s0 =	sor.u32 s3, s0;
	s1 =	sshll.u32 s1, $0x11  }
0xbb: {  	s0 =	sor.u32 s1, s0  }
0xbc: {  	s0 =	sadd.s32 $0x8F2B, s0  }
0xbd: {  	[sflag:s0] =	ssyncadd.remote.s32 $0x1  }
0xbe: {  	_ =	sfence.sel $0xFFFF  }
0xbf: {  	[dreg:$0x0] =	wrdreg $0xFFFFFFFF;
	(pc) =	sbr.abs _section_cstart, $3  }
0xc0: {  	[dreg:$0x1] =	wrdreg $0xFFFFFFFF  }
0xc1: {  	_ =	task.clear_ibuf [dreg:s6], $0x2FFFF;
	_ =	strace $0x9FFFFFFF  }
0xc2: {  	(tm) =	ssettm $0x7FFFFFFF  }
0xc3: {  	_ =	shalt  }
tec
execute0_lowered:
.L_overlay_start_1:
0x0: {  	(tag) =	ssettag $0x1  }
0x1: {  	s4 =	rddreg [dreg:$0x0];
	s1 =	stileid.u32  }
0x2: {  	s2 =	rddreg [dreg:$0x1];
	s5 =	smul.u32 $0x186A0, s1  }
0x3: {  	s0 =	rddreg [dreg:$0x2];
	s6 =	smul.u32 $0x30D40, s1  }
0x4: {  	s7 =	srdreg.scid;
	s3 =	simm.s32 $0x0;
	s8 =	smul.u32 $0xC350, s1  }
0x5: {  	s15 =	simm.s32 $0x0;
	s7 =	sand.u32 $0x1, s7;
	s11 =	smul.u32 $0x30D4, s1  }
0x6: {  	[smem:$0x7FF] =	sst s3;
	s30 =	sshll.u32 s1, $0x6;
	s9 =	smul.u32 $0x61A8, s7  }
0x7: {  	_ =	strace $0x8000004D;
	s24 =	smul.u32 $0x30D40, s7;
	s26 =	ssub.s32 $0x2, s7  }
0x8: {  	s7 =	smul.u32 $0x186A0, s7;
	s10 =	sshrl.u32 s5, $0x3;
	s12 =	sadd.s32 s6, s4  }
0x9: {  	s29 =	sshrl.u32 s26, $0x1;
	s14 =	sadd.s32 s5, s2;
	s5 =	sor.u32 $0x1C01, s30  }
0xa: {  	s10 =	sadd.s32 s10, s4;
	s8 =	sadd.s32 s9, s8;
	s28 =	sadd.s32 s11, s24  }
0xb: {  	s31 =	sadd.s32 s7, s12;
	s12 =	sshrl.u32 s14, $0x3;
	s14 =	simm.s32 $0xC8  }
0xc: {  	s25 =	sshrl.u32 s8, $0x3;
	s6 =	sadd.s32 s28, s4;
	s8 =	ssub.s32 s26, s29  }
0xd: {  	s13 =	sadd.s32 s25, s4;
	s4 =	sadd.s32 $0x109B800, s10;
	s6 =	sadd.s32 $0x10CC600, s6  }
0xe: {  	s7 =	smax.u32 s8, $0x1;
	s8 =	sadd.s32 $0xD8E400, s31;
	s10 =	sadd.s32 $0x13AA600, s31  }
0xf: {  	s9 =	sadd.s32 $0xD75C00, s13;
	s11 =	sadd.s32 $0x1391E00, s13;
	s13 =	simm.s32 $0x1  }
.LBB2_1:
0x10: {  	[spmem:s12], [sflag:s5] =	dma.local [hbm:s4], $0x30D4  }
0x11: {  	_ =	swait.ge [sflag:s13], $0x30D4  }
0x12: {  	[sflag:s13] =	ssyncset.done $0x0  }
0x13: {  	[sflag:s13] =	ssyncadd.s32 $0xFFFFCF2C  }
0x14: {  	s16 =	sadd.s32 $0x0, s9;
	[bflag:$0x0] =	sbarrier.arrive $0xFFFF  }
0x15: {  	[tilespmem:s3], [sflag:$0x1] =	stream.linear.gather [hbm4b:s16+s3], $0xC8, $0x38;
	[tilespmem:$0x1A068] =	vst v63  }
0x16: {  	_ =	swait.ge [sflag:s13], $0xC8  }
0x17: {  	[sflag:s13] =	ssyncset.done $0x0  }
0x18: {  	[sflag:s13] =	ssyncadd.s32 $0xFFFFFF38  }
0x19: {  	[tilespmem:s14], [sflag:$0x1] =	stream.linear.gather [hbm4b:s8+s3], $0x1900, $0x38;
	[tilespmem:$0x1A068] =	vst v63  }
0x1a: {  	_ =	swait.ge [sflag:s13], $0x1900  }
0x1b: {  	[sflag:s13] =	ssyncset.done $0x0  }
0x1c: {  	[sflag:s13] =	ssyncadd.s32 $0xFFFFE700  }
0x1d: {  	[spmem:s2] =	stream.indirect.scatter.add.f32 [tilespmem:s14], [sflag:$0x1], $0x20, s3, s14, $0xb8;
	[tilespmem:$0x1A068] =	vst v63  }
0x1e: {  	s19 =	sadd.s32 $0x19, s9;
	_ =	swait.ge [sflag:s13], $0x1900  }
0x1f: {  	s18 =	simm.s32 $0x32;
	s16 =	sadd.s32 $0x320, s8;
	[sflag:s13] =	ssyncset.done $0x0  }
.LBB2_2:
0x20: {  	s20 =	sadd.s32 s18, s9;
	s17 =	simm.s32 $0x0;
	[sflag:s13] =	ssyncadd.s32 $0xFFFFE700  }
0x21: {  	[tilespmem:s17], [sflag:$0x1] =	stream.linear.gather [hbm4b:s19+s17], $0xC8, $0x38;
	[tilespmem:$0x1A068] =	vst v63  }
0x22: {  	p0 =	sne.s32 s18, $0xC1C;
	s18 =	sadd.s32 $0x19, s18;
	_ =	swait.ge [sflag:s13], $0xC8  }
0x23: {  	s19 =	smov.u32 s20;
	[sflag:s13] =	ssyncset.done $0x0  }
0x24: {  	[sflag:s13] =	ssyncadd.s32 $0xFFFFFF38  }
0x25: {  	[tilespmem:s14], [sflag:$0x1] =	stream.linear.gather [hbm4b:s16+s17], $0x1900, $0x38;
	[tilespmem:$0x1A068] =	vst v63  }
0x26: {  	_ =	swait.ge [sflag:s13], $0x1900  }
.Ltmp0:
0x27: {  	[sflag:s13] =	ssyncset.done $0x0;
	(pc) =	sbr.rel @p0 .LBB2_2-.Ltmp0, $4  }
0x28: {  	[sflag:s13] =	ssyncadd.s32 $0xFFFFE700  }
0x29: {  	[spmem:s2] =	stream.indirect.scatter.add.f32 [tilespmem:s14], [sflag:$0x1], $0x20, s17, s14, $0xb8;
	[tilespmem:$0x1A068] =	vst v63  }
0x2a: {  	_ =	swait.ge [sflag:s13], $0x1900  }
0x2b: {  	s16 =	sadd.s32 $0x320, s16;
	[sflag:s13] =	ssyncset.done $0x0  }
0x2c: {  	[sflag:s13] =	ssyncadd.s32 $0xFFFFE700  }
0x2d: {  	[tilespmem:s17], [sflag:$0x1] =	stream.linear.gather [hbm4b:s19+s17], $0xC8, $0x38;
	[tilespmem:$0x1A068] =	vst v63  }
0x2e: {  	_ =	swait.ge [sflag:s13], $0xC8  }
0x2f: {  	[sflag:s13] =	ssyncset.done $0x0  }
0x30: {  	[sflag:s13] =	ssyncadd.s32 $0xFFFFFF38  }
0x31: {  	[tilespmem:s14], [sflag:$0x1] =	stream.linear.gather [hbm4b:s16+s17], $0x1900, $0x38;
	[tilespmem:$0x1A068] =	vst v63  }
0x32: {  	_ =	swait.ge [sflag:s13], $0x1900  }
0x33: {  	p1 =	por $0x1, $0x1;
	[sflag:s13] =	ssyncset.done $0x0  }
.Ltmp1:
0x34: {  	[sflag:s13] =	ssyncadd.s32 $0xFFFFE700;
	(pc) =	sbr.rel @!p1 .LBB2_8-.Ltmp1, $4  }
0x35: {  	[spmem:s2] =	stream.indirect.scatter.add.f32 [tilespmem:s14], [sflag:$0x1], $0x20, s17, s14, $0xb8;
	[tilespmem:$0x1A068] =	vst v63  }
0x36: {  	_ =	swait.ge [sflag:s13], $0x1900  }
0x37: {  	p0 =	por $0x0, $0x0;
	[sflag:s13] =	ssyncset.done $0x0  }
0x38: {  	s18 =	smov.u32 s10;
	s16 =	simm.s32 $0x19;
	[sflag:s13] =	ssyncadd.s32 $0xFFFFE700  }
0x39: {  	s17 =	sadd.s32 $0x0, s11  }
0x3a: {  	[tilespmem:s3], [sflag:$0x1] =	stream.linear.gather [hbm4b:s17+s3], $0xC8, $0x38;
	[tilespmem:$0x1A068] =	vst v63  }
0x3b: {  	_ =	swait.ge [sflag:s13], $0xC8  }
0x3c: {  	[sflag:s13] =	ssyncset.done $0x0  }
0x3d: {  	[sflag:s13] =	ssyncadd.s32 $0xFFFFFF38  }
0x3e: {  	[tilespmem:s14], [sflag:$0x1] =	stream.linear.gather [hbm4b:s10+s3], $0x1900, $0x38;
	[tilespmem:$0x1A068] =	vst v63  }
0x3f: {  	p1 =	por $0x1, $0x1;
	_ =	swait.ge [sflag:s13], $0x1900  }
.Ltmp2:
0x40: {  	[sflag:s13] =	ssyncset.done $0x0;
	(pc) =	sbr.rel @!p1 .LBB2_5-.Ltmp2, $4  }
0x41: {  	[sflag:s13] =	ssyncadd.s32 $0xFFFFE700  }
0x42: {  	[spmem:s2] =	stream.indirect.scatter.add.f32 [tilespmem:s14], [sflag:$0x1], $0x20, s3, s14, $0xb8;
	[tilespmem:$0x1A068] =	vst v63  }
0x43: {  	s18 =	sadd.s32 $0x320, s10;
	_ =	swait.ge [sflag:s13], $0x1900  }
0x44: {  	p0 =	por $0x1, $0x1;
	s17 =	simm.s32 $0x32;
	[sflag:s13] =	ssyncset.done $0x0  }
.LBB2_6:
0x45: {  	s19 =	sadd.s32 s16, s11  }
0x46: {  	[sflag:s13] =	ssyncadd.s32 $0xFFFFE700;
	s16 =	smov.u32 s17;
	s20 =	sadd.s32 $0x19, s17  }
0x47: {  	[tilespmem:s3], [sflag:$0x1] =	stream.linear.gather [hbm4b:s19+s3], $0xC8, $0x38;
	[tilespmem:$0x1A068] =	vst v63  }
0x48: {  	p1 =	sne.s32 s17, $0xC1C;
	_ =	swait.ge [sflag:s13], $0xC8  }
0x49: {  	[sflag:s13] =	ssyncset.done $0x0  }
0x4a: {  	[sflag:s13] =	ssyncadd.s32 $0xFFFFFF38  }
0x4b: {  	[tilespmem:s14], [sflag:$0x1] =	stream.linear.gather [hbm4b:s18+s3], $0x1900, $0x38;
	[tilespmem:$0x1A068] =	vst v63  }
0x4c: {  	_ =	swait.ge [sflag:s13], $0x1900  }
.Ltmp3:
0x4d: {  	[sflag:s13] =	ssyncset.done $0x0;
	(pc) =	sbr.rel @p1 .LBB2_6-.Ltmp3, $4  }
0x4e: {  	[sflag:s13] =	ssyncadd.s32 $0xFFFFE700  }
0x4f: {  	[spmem:s2] =	stream.indirect.scatter.add.f32 [tilespmem:s14], [sflag:$0x1], $0x20, s3, s14, $0xb8;
	[tilespmem:$0x1A068] =	vst v63  }
0x50: {  	_ =	swait.ge [sflag:s13], $0x1900  }
0x51: {  	s17 =	smov.u32 s20;
	s18 =	sadd.s32 $0x320, s18;
	[sflag:s13] =	ssyncset.done $0x0  }
0x52: {  	s17 =	smov.u32 s16  }
.LBB2_8:
0x53: {  	s16 =	sadd.s32 s17, s11;
	[sflag:s13] =	ssyncadd.s32 @p0 $0xFFFFE700  }
0x54: {  	[tilespmem:s3], [sflag:$0x1] =	stream.linear.gather [hbm4b:s16+s3], $0xC8, $0x38;
	[tilespmem:$0x1A068] =	vst v63  }
0x55: {  	_ =	swait.ge [sflag:s13], $0xC8  }
0x56: {  	[sflag:s13] =	ssyncset.done $0x0  }
0x57: {  	[sflag:s13] =	ssyncadd.s32 $0xFFFFFF38  }
0x58: {  	[tilespmem:s14], [sflag:$0x1] =	stream.linear.gather [hbm4b:s18+s3], $0x1900, $0x38;
	[tilespmem:$0x1A068] =	vst v63  }
0x59: {  	_ =	swait.ge [sflag:s13], $0x1900  }
0x5a: {  	[sflag:s13] =	ssyncset.done $0x0  }
0x5b: {  	[sflag:s13] =	ssyncadd.s32 $0xFFFFE700  }
0x5c: {  	[spmem:s2] =	stream.indirect.scatter.add.f32 [tilespmem:s14], [sflag:$0x1], $0x20, s3, s14, $0xb8;
	[tilespmem:$0x1A068] =	vst v63  }
0x5d: {  	_ =	swait.ge [sflag:s13], $0x1900  }
0x5e: {  	[sflag:s13] =	ssyncset.done $0x0  }
0x5f: {  	s15 =	sadd.s32 $0x1, s15;
	[sflag:s13] =	ssyncadd.s32 $0xFFFFE700  }
0x60: {  	p0 =	sne.s32 s15, s7;
	[bflag:$0x0] =	sbarrier.arrive $0xFFFF  }
0x61: {  	[hbm:s6], [sflag:s5] =	dma.local [spmem:s12], $0x30D4  }
.Ltmp4:
0x62: {  	_ = 	snop;
	(pc) =	sbr.rel @p0 .LBB2_1-.Ltmp4, $4  }
.Ltmp5:
0x63: {  	_ = 	snop;
	(pc) =	sbr.rel @!p0 .LBB2_9-.Ltmp5, $4  }
0x64: {  	_ =	swait.ge [sflag:s13], $0x30D4  }
0x65: {  	[sflag:s13] =	ssyncset.done $0x0  }
0x66: {  	[sflag:s13] =	ssyncadd.s32 $0xFFFFCF2C  }
0x67: {  	_ = 	snop  }
.LBB2_5:
.Ltmp6:
0x68: {  	(pc) =	sbr.rel .LBB2_8-.Ltmp6, $2  }
0x69: {  	_ =	sdelay $0x2  }
0x6a: {  	s17 =	simm.s32 $0x19  }
.LBB2_9:
0x6b: {  	_ =	sfence.sel $0x180000  }
0x6c: {  	[bflag:$0x0] =	sbarrier.arrive $0xFFFF  }
0x6d: {  	p0 =	sne.s32 s1, $0x0;
	_ =	strace $0x9000004D  }
0x6e: {  	s0 =	sadd.s32 @!p0 $0x100000, s0;
	[bflag:$0x2] =	sbarrier.arrive $0xFFFF  }
0x6f: {  	[sflag:s0] =	ssyncadd.tile.s32 @!p0 $0x1;
	_ =	shalt  }
.Lfunc_end2:
_tile_overlayer_lowered:
.L_overlay_start_2:
0x70: {  	(tag) =	ssettag $0x2  }
0x71: {  	s0 =	rddreg [dreg:$0x0];
	s2 =	stileid.u32  }
0x72: {  	s1 =	rddreg [dreg:$0x1];
	p0 =	sne.s32 s2, $0x0  }
0x73: {  	s3 =	rddreg [dreg:$0x2];
	[bflag:$0x3] =	sbarrier.arrive $0xFFFF;
	s2 =	simm.s32 @!p0 $0x1C01  }
0x74: {  	[timem:s3], [sflag:s2] =	dma.local @!p0 [hbm:s0], s1  }
0x75: {  	s0 =	simm.s32 @!p0 $0x1  }
0x76: {  	_ =	swait.ge @!p0 [sflag:s0], s1  }
0x77: {  	s1 =	ssub.s32 @!p0 $0x0, s1;
	[sflag:s0] =	ssyncset.done @!p0 $0x0  }
0x78: {  	[sflag:s0] =	ssyncadd.s32 @!p0 s1  }
0x79: {  	[bflag:$0x3] =	sbarrier.arrive $0xFFFF  }
0x7a: {  	_ =	shalt  }

// kernel: kernel.7.cloned.1.call-start
scs
__scs_entry_jumppad:
0x0: {  	(pc) =	sbr.rel $0x88, $3  }
0x1: {  	(tag) =	ssettag $0x0;
	lr =	simm.s32 $0x1  }
0x2: {  	[smem:$0x3F93] =	sst lr;
	_ =	strace $0xD0000000  }
0x3: {  	_ = 	snop  }
0x4: {  	_ = 	snop  }
0x5: {  	_ = 	snop  }
0x6: {  	_ = 	snop  }
0x7: {  	_ = 	snop  }
__scs_overlays_trampoline_lowered:
0x8: {  	[smem:$0x3FA2] =	sst s0  }
0x9: {  	[smem:$0x3FA3] =	sst s1  }
0xa: {  	[smem:$0x3FA4] =	sst s2  }
0xb: {  	[smem:$0x3FA5] =	sst s3  }
0xc: {  	[smem:$0x3FA6] =	sst s4  }
0xd: {  	[smem:$0x3FA7] =	sst s5  }
0xe: {  	[smem:$0x3FA8] =	sst s6  }
0xf: {  	[smem:$0x3FA9] =	sst s7  }
0x10: {  	[smem:$0x3FAA] =	sst s8  }
0x11: {  	[smem:$0x3FAB] =	sst s9;
	s0 =	simm.s32 @!p0 $0x0  }
0x12: {  	s1 =	sld [smem:$0x3F91];
	s0 =	simm.s32 @p0 $0x1  }
0x13: {  	[smem:$0x3FAC] =	sst s0;
	s0 =	simm.s32 @!p1 $0x0  }
0x14: {  	s2 =	sld [smem:$0x3F90];
	s0 =	simm.s32 @p1 $0x1  }
0x15: {  	[smem:$0x3FAD] =	sst s0;
	s0 =	simm.s32 @!p2 $0x0  }
0x16: {  	s3 =	sld [smem:$0x3FDB];
	s0 =	simm.s32 @p2 $0x1  }
0x17: {  	s4 =	simm.s32 $0x1BF5;
	[smem:$0x3FAF] =	sst s0  }
0x18: {  	s0 =	sld [smem:$0x3F92];
	_ =	swait.ge [sflag:s4], $0x0  }
0x19: {  	s7 =	sld [smem:$0x3F93]  }
0x1a: {  	s8 =	sadd.s32 $0xFFFFE003, lr  }
0x1b: {  	s9 =	sadd.s32 $0xFFFFFEF7, lr;
	s5 =	simm.s32 $0xFFFFFFFF;
	p2 =	slt.u32 s8, $0xFFFFF086  }
0x1c: {  	p1 =	slt.u32 s9, $0xF7A;
	s5 =	simm.s32 @!p2 $0x0  }
0x1d: {  	s5 =	simm.s32 @p1 $0x1;
	p0 =	seq.s32 s7, s2  }
0x1e: {  	s7 =	smul.u32 @!p0 $0xF7A, s2;
	p2 =	seq.s32 @!p0 s5, $0x0  }
0x1f: {  	s9 =	smul.u32 $0xF7A, s1;
	s8 =	simm.s32 @!p0 $0x1BF5;
	p2 =	por !p2, p0  }
0x20: {  	[sflag:s8] =	ssyncset.s32 @!p0 $0xFFFFF086;
	s6 =	sadd.s32 @!p0 s3, s7;
	s7 =	simm.s32 @!p0 $0x108  }
0x21: {  	s3 =	sadd.s32 s3, s9;
	s6 =	sadd.s32 @!p0 $0x88, s6;
	s7 =	simm.s32 @p2 $0x1082  }
0x22: {  	[simem:s7], [sflag:s8] =	dma.local @!p0 [hbm:s6], $0xF7A  }
0x23: {  	s9 =	sor.u32 $0xD0000000, s2;
	s6 =	simm.s32 $0x108;
	_ =	swait.ge @!p0 [sflag:s8], $0x0  }
0x24: {  	s3 =	sadd.s32 $0x88, s3;
	s6 =	simm.s32 @!p1 $0x1082;
	[sflag:s4] =	ssyncset.s32 $0xFFFFF086  }
0x25: {  	[simem:s6], [sflag:s4] =	dma.local [hbm:s3], $0xF7A  }
0x26: {  	[smem:$0x3F93] =	sst s1;
	(tag) =	ssettag s2;
	_ =	strace s9  }
0x27: {  	s1 =	sld [smem:$0x3FA3]  }
0x28: {  	s2 =	sld [smem:$0x3FA4]  }
0x29: {  	s4 =	sld [smem:$0x3FA6]  }
0x2a: {  	p0 =	seq.s32 s5, $0x0;
	s5 =	sld [smem:$0x3FA7]  }
0x2b: {  	s6 =	sld [smem:$0x3FA8]  }
0x2c: {  	s7 =	sld [smem:$0x3FA9]  }
0x2d: {  	s3 =	simm.s32 $0x108;
	s8 =	sld [smem:$0x3FAA]  }
0x2e: {  	s3 =	simm.s32 @!p0 $0x1082;
	s9 =	sld [smem:$0x3FAB]  }
0x2f: {  	lr =	sadd.s32 s0, s3;
	s0 =	sld [smem:$0x3FA2]  }
0x30: {  	s3 =	sld [smem:$0x3FA5]  }
0x31: {  	[smem:$0x3FAE] =	sst s10  }
0x32: {  	s10 =	sld [smem:$0x3FAC];
	_ =	sdelay $0x3  }
0x33: {  	p0 =	seq.s32 s10, $0x1;
	s10 =	sld [smem:$0x3FAE];
	_ =	sdelay $0x3  }
0x34: {  	[smem:$0x3FAE] =	sst s10  }
0x35: {  	s10 =	sld [smem:$0x3FAD];
	_ =	sdelay $0x3  }
0x36: {  	p1 =	seq.s32 s10, $0x1;
	s10 =	sld [smem:$0x3FAE];
	_ =	sdelay $0x3  }
0x37: {  	[smem:$0x3FAE] =	sst s10  }
0x38: {  	s10 =	sld [smem:$0x3FAF]  }
0x39: {  	_ = 	snop;
	(pc) =	sbr.ind lr, $3  }
0x3a: {  	_ = 	snop  }
0x3b: {  	_ = 	snop  }
0x3c: {  	p2 =	seq.s32 s10, $0x1;
	s10 =	sld [smem:$0x3FAE]  }
0x3d: {  	_ =	shalt  }
0x3e: {  	_ =	shalt  }
0x3f: {  	_ =	shalt  }
0x40: {  	_ =	shalt  }
0x41: {  	_ =	shalt  }
0x42: {  	_ =	shalt  }
0x43: {  	_ =	shalt  }
0x44: {  	_ =	shalt  }
0x45: {  	_ =	shalt  }
0x46: {  	_ =	shalt  }
0x47: {  	_ =	shalt  }
0x48: {  	_ =	shalt  }
0x49: {  	_ =	shalt  }
0x4a: {  	_ =	shalt  }
0x4b: {  	_ =	shalt  }
0x4c: {  	_ =	shalt  }
0x4d: {  	_ =	shalt  }
0x4e: {  	_ =	shalt  }
0x4f: {  	_ =	shalt  }
0x50: {  	_ =	shalt  }
0x51: {  	_ =	shalt  }
0x52: {  	_ =	shalt  }
0x53: {  	_ =	shalt  }
0x54: {  	_ =	shalt  }
0x55: {  	_ =	shalt  }
0x56: {  	_ =	shalt  }
0x57: {  	_ =	shalt  }
0x58: {  	_ =	shalt  }
0x59: {  	_ =	shalt  }
0x5a: {  	_ =	shalt  }
0x5b: {  	_ =	shalt  }
0x5c: {  	_ =	shalt  }
0x5d: {  	_ =	shalt  }
0x5e: {  	_ =	shalt  }
0x5f: {  	_ =	shalt  }
0x60: {  	_ =	shalt  }
0x61: {  	_ =	shalt  }
0x62: {  	_ =	shalt  }
0x63: {  	_ =	shalt  }
0x64: {  	_ =	shalt  }
0x65: {  	_ =	shalt  }
0x66: {  	_ =	shalt  }
0x67: {  	_ =	shalt  }
0x68: {  	_ =	shalt  }
0x69: {  	_ =	shalt  }
0x6a: {  	_ =	shalt  }
0x6b: {  	_ =	shalt  }
0x6c: {  	_ =	shalt  }
0x6d: {  	_ =	shalt  }
0x6e: {  	_ =	shalt  }
0x6f: {  	_ =	shalt  }
0x70: {  	_ =	shalt  }
0x71: {  	_ =	shalt  }
0x72: {  	_ =	shalt  }
0x73: {  	_ =	shalt  }
0x74: {  	_ =	shalt  }
0x75: {  	_ =	shalt  }
0x76: {  	_ =	shalt  }
0x77: {  	_ =	shalt  }
0x78: {  	_ =	shalt  }
0x79: {  	_ =	shalt  }
0x7a: {  	_ =	shalt  }
0x7b: {  	_ =	shalt  }
0x7c: {  	_ =	shalt  }
0x7d: {  	_ =	shalt  }
0x7e: {  	_ =	shalt  }
0x7f: {  	_ =	shalt  }
0x80: {  	_ =	shalt  }
0x81: {  	_ =	shalt  }
0x82: {  	_ =	shalt  }
0x83: {  	_ =	shalt  }
0x84: {  	_ =	shalt  }
0x85: {  	_ =	shalt  }
0x86: {  	_ =	shalt  }
0x87: {  	_ =	shalt  }
.Lfunc_end0:
.L_simem_size_0:
called_computation_lowered:
.L_overlay_start_0:
0x88: {  	s2 =	sld [smem:$0x3FD9]  }
0x89: {  	s3 =	sld [smem:$0x3FFE];
	_ =	sdelay $0x1  }
0x8a: {  	s1 =	srdreg.scid  }
0x8b: {  	s0 =	sand.u32 $0x1, s1  }
0x8c: {  	s16 =	sshll.u32 s0, $0xA;
	s2 =	sadd.s32 s3, s2  }
0x8d: {  	s2 =	sadd.s32 s2, s16  }
0x8e: {  	[smem:$0x3FBA] =	sst s2  }
0x8f: {  	_ = 	snop  }
0x90: {  	(tm) =	ssettm $0x1  }
0x91: {  	s17 =	sld [smem:$0x3FFB];
	_ =	sdelay $0x3  }
0x92: {  	_ =	strace s17  }
0x93: {  	s2 =	sld [smem:$0x3FFC];
	_ =	sdelay $0x3  }
0x94: {  	_ =	strace s2  }
0x95: {  	s2 =	sld [smem:$0x3FFD];
	_ =	sdelay $0x3  }
0x96: {  	_ =	strace s2  }
0x97: {  	_ =	strace $0x8FFFFFFF  }
0x98: {  	s18 =	sld [smem:$0x3FDB];
	_ =	sdelay $0x1  }
0x99: {  	s19 =	simm.s32 $_scs_section_size  }
0x9a: {  	s4 =	simm.s32 $_size__tile_overlayer_lowered;
	s5 =	simm.s32 $_tile_overlayer_lowered  }
0x9b: {  	s22 =	simm.s32 $0x1BFF;
	s21 =	sshll.u32 s5, $0x1;
	s2 =	sadd.s32 s19, s18  }
0x9c: {  	s6 =	simm.s32 $0x0;
	s20 =	sshll.u32 s4, $0x1;
	s4 =	sadd.s32 s21, s2  }
0x9d: {  	[timem:s6], [sflag:s22] =	dma.local [hbm:s4], s20  }
0x9e: {  	_ =	swait.ge [sflag:s22], s20  }
0x9f: {  	s3 =	ssub.s32 $0x0, s20;
	[sflag:s22] =	ssyncset.done $0x0  }
0xa0: {  	[sflag:s22] =	ssyncadd.s32 s3;
	_ =	sdelay $0x1  }
0xa1: {  	s23 =	simm.s32 $0x1B8B  }
0xa2: {  	_ =	swait.ge [sflag:s23], $0x1  }
0xa3: {  	[sflag:s23] =	ssyncset.done $0x0  }
0xa4: {  	s25 =	simm.s32 $0x1B8E;
	s24 =	sld [smem:$0x3FFE];
	[sflag:s23] =	ssyncadd.s32 $0xFFFFFFFF  }
0xa5: {  	s26 =	simm.s32 $execute0_lowered;
	[smem:$0x3FD2] =	sst s25  }
0xa6: {  	s4 =	sshll.u32 s26, $0x1;
	_ =	strace $0x80000046;
	[dreg:$0x1] =	wrdreg $0xFFFFFFFF  }
0xa7: {  	s28 =	simm.s32 $_size_execute0_lowered;
	s2 =	sadd.s32 s2, s4;
	[dreg:$0x0] =	wrdreg $0x0  }
0xa8: {  	s4 =	sshll.u32 s28, $0x1;
	[dreg:$0x2] =	wrdreg s2  }
0xa9: {  	[dreg:$0x3] =	wrdreg s4  }
0xaa: {  	[dreg:$0x4] =	wrdreg $0xC0  }
0xab: {  	_ =	task [dreg:s6], $0x5FFFF  }
0xac: {  	[dreg:$0x1] =	wrdreg $0xFFFFFFFF  }
0xad: {  	[dreg:$0x0] =	wrdreg $0x60  }
0xae: {  	[dreg:$0x2] =	wrdreg s24  }
0xaf: {  	[dreg:$0x3] =	wrdreg $0x9  }
0xb0: {  	_ =	task.clear_ibuf [dreg:s6], $0x4FFFF;
	_ =	strace $0x90000046  }
0xb1: {  	s29 =	simm.s32 $0x9;
	_ =	strace $0x80000048  }
0xb2: {  	_ =	swait.ge [sflag:s29], $0x1  }
0xb3: {  	[sflag:s29] =	ssyncadd.s32 $0xFFFFFFFF  }
0xb4: {  	_ =	strace $0x90000048  }
0xb5: {  	_ =	sfence  }
0xb6: {  	s30 =	sld [smem:$0x0];
	_ =	sdelay $0x2  }
0xb7: {  	s31 =	sshll.u32 s1, $0xD;
	s1 =	sshrl.u32 s1, $0x2  }
0xb8: {  	s3 =	sand.u32 $0x4000, s31;
	s1 =	sadd.s32 s1, s30  }
0xb9: {  	s0 =	sor.u32 s3, s0;
	s1 =	sshll.u32 s1, $0x11  }
0xba: {  	s0 =	sor.u32 s1, s0  }
0xbb: {  	s0 =	sadd.s32 $0x8F2B, s0  }
0xbc: {  	[sflag:s0] =	ssyncadd.remote.s32 $0x1  }
0xbd: {  	_ =	sfence.sel $0xFFFF  }
0xbe: {  	[dreg:$0x0] =	wrdreg $0xFFFFFFFF;
	(pc) =	sbr.abs _section_cstart, $3  }
0xbf: {  	[dreg:$0x1] =	wrdreg $0xFFFFFFFF  }
0xc0: {  	_ =	task.clear_ibuf [dreg:s6], $0x2FFFF;
	_ =	strace $0x9FFFFFFF  }
0xc1: {  	(tm) =	ssettm $0x7FFFFFFF  }
tec
execute0_lowered:
.L_overlay_start_1:
0x0: {  	(tag) =	ssettag $0x1  }
0x1: {  	s4 =	rddreg [dreg:$0x0]  }
0x2: {  	s0 =	rddreg [dreg:$0x1]  }
0x3: {  	s3 =	srdreg.scid;
	s1 =	stileid.u32;
	s2 =	simm.s32 $0x0  }
0x4: {  	s10 =	simm.s32 $0x1;
	s11 =	simm.s32 $0x2;
	s6 =	smul.u32 $0x186A0, s1  }
0x5: {  	s12 =	simm.s32 $0xFA0;
	s5 =	sand.u32 $0x1, s3;
	s8 =	smul.u32 $0x30D40, s1  }
0x6: {  	s13 =	simm.s32 $0x8CA0;
	s14 =	simm.s32 $0x0;
	s7 =	smul.u32 $0xC350, s5  }
0x7: {  	[smem:$0x7FF] =	sst s2;
	s3 =	sadd.s32 $0xC6600, s4;
	s28 =	smul.u32 $0x186A0, s5  }
0x8: {  	_ =	strace $0x80000047;
	s5 =	ssub.s32 $0x2, s5;
	s8 =	sadd.s32 s8, s4  }
0x9: {  	s29 =	sshrl.u32 s5, $0x1;
	s6 =	sadd.s32 s7, s6;
	s30 =	sadd.s32 s28, s8  }
0xa: {  	s31 =	ssub.s32 s5, s29;
	s6 =	sshrl.u32 s6, $0x3;
	s5 =	sadd.s32 $0x140A00, s30  }
0xb: {  	s9 =	sadd.s32 s6, s4;
	s4 =	sadd.s32 $0x44DE00, s30;
	s6 =	smax.u32 s31, $0x1  }
0xc: {  	s7 =	sadd.s32 $0xDEE00, s9;
	s8 =	sadd.s32 $0x10FC00, s9;
	s9 =	simm.s32 $0x7D0  }
.LBB2_1:
0xd: {  	s15 =	sadd.s32 $0x0, s8  }
0xe: {  	[tilespmem:s2], [sflag:$0x1] =	stream.linear.gather [hbm4b:s15+s2], $0x7D0, $0x38;
	[tilespmem:$0x109A0] =	vst v63  }
0xf: {  	s31 =	sadd.s32 $0x0, s7  }
0x10: {  	[tilespmem:s9], [sflag:$0x2] =	stream.linear.gather [hbm4b:s31+s2], $0x7D0, $0x38;
	[tilespmem:$0x109A0] =	vst v63  }
0x11: {  	_ =	swait.ge [sflag:s10], $0x7D0  }
0x12: {  	[sflag:s10] =	ssyncset.done $0x0  }
0x13: {  	[sflag:s10] =	ssyncadd.s32 $0xFFFFF830  }
0x14: {  	_ =	swait.ge [sflag:s11], $0x7D0  }
0x15: {  	[sflag:s11] =	ssyncset.done $0x0  }
0x16: {  	[sflag:s11] =	ssyncadd.s32 $0xFFFFF830  }
0x17: {  	[tilespmem:s12], [sflag:$0x1] =	stream.indirect.gather [hbm4b:s3+s9], $0x10, s2, s9, $0xb8;
	[tilespmem:$0x109A0] =	vst v63  }
0x18: {  	_ = 	snop  }
0x19: {  	[tilespmem:s13], [sflag:$0x2] =	stream.indirect.gather [hbm4b:s3+s9], $0x10, s9, s9, $0xb8;
	[tilespmem:$0x109A0] =	vst v63  }
0x1a: {  	_ =	swait.ge [sflag:s10], $0x7D00  }
0x1b: {  	[sflag:s10] =	ssyncset.done $0x0  }
0x1c: {  	[sflag:s10] =	ssyncadd.s32 $0xFFFF8300  }
0x1d: {  	_ =	swait.ge [sflag:s11], $0x7D00  }
0x1e: {  	[sflag:s11] =	ssyncset.done $0x0  }
0x1f: {  	[sflag:s11] =	ssyncadd.s32 $0xFFFF8300  }
0x20: {  	[hbm4b:s5+s2] =	stream.linear.scatter [tilespmem:s12], [sflag:$0x1], $0x7D00, $0x38;
	[tilespmem:$0x109A0] =	vst v63  }
0x21: {  	_ = 	snop  }
0x22: {  	[hbm4b:s4+s2] =	stream.linear.scatter [tilespmem:s13], [sflag:$0x2], $0x7D00, $0x38;
	[tilespmem:$0x109A0] =	vst v63  }
0x23: {  	_ =	swait.ge [sflag:s10], $0x7D00  }
0x24: {  	[sflag:s10] =	ssyncset.done $0x0  }
0x25: {  	[sflag:s10] =	ssyncadd.s32 $0xFFFF8300  }
0x26: {  	s17 =	simm.s32 $0xFA;
	s18 =	simm.s32 $0x1F4;
	_ =	swait.ge [sflag:s11], $0x7D00  }
0x27: {  	s16 =	sadd.s32 $0xFA0, s5;
	s15 =	sadd.s32 $0xFA0, s4;
	[sflag:s11] =	ssyncset.done $0x0  }
.LBB2_2:
0x28: {  	s19 =	sadd.s32 s17, s8  }
0x29: {  	[sflag:s11] =	ssyncadd.s32 $0xFFFF8300;
	s20 =	smov.u32 s18;
	s21 =	sadd.s32 $0xFA, s18  }
0x2a: {  	[tilespmem:s2], [sflag:$0x1] =	stream.linear.gather [hbm4b:s19+s2], $0x7D0, $0x38;
	[tilespmem:$0x109A0] =	vst v63  }
0x2b: {  	p0 =	sne.s32 s18, $0x1770;
	s18 =	sadd.s32 s17, s7;
	s17 =	smov.u32 s20  }
0x2c: {  	[tilespmem:s9], [sflag:$0x2] =	stream.linear.gather [hbm4b:s18+s2], $0x7D0, $0x38;
	[tilespmem:$0x109A0] =	vst v63  }
0x2d: {  	_ =	swait.ge [sflag:s10], $0x7D0  }
0x2e: {  	[sflag:s10] =	ssyncset.done $0x0  }
0x2f: {  	[sflag:s10] =	ssyncadd.s32 $0xFFFFF830  }
0x30: {  	_ =	swait.ge [sflag:s11], $0x7D0  }
0x31: {  	[sflag:s11] =	ssyncset.done $0x0  }
0x32: {  	[sflag:s11] =	ssyncadd.s32 $0xFFFFF830  }
0x33: {  	[tilespmem:s12], [sflag:$0x1] =	stream.indirect.gather [hbm4b:s3+s9], $0x10, s2, s9, $0xb8;
	[tilespmem:$0x109A0] =	vst v63  }
0x34: {  	_ = 	snop  }
0x35: {  	[tilespmem:s13], [sflag:$0x2] =	stream.indirect.gather [hbm4b:s3+s9], $0x10, s9, s9, $0xb8;
	[tilespmem:$0x109A0] =	vst v63  }
0x36: {  	_ =	swait.ge [sflag:s10], $0x7D00  }
0x37: {  	[sflag:s10] =	ssyncset.done $0x0  }
0x38: {  	[sflag:s10] =	ssyncadd.s32 $0xFFFF8300  }
0x39: {  	_ =	swait.ge [sflag:s11], $0x7D00  }
0x3a: {  	[sflag:s11] =	ssyncset.done $0x0  }
0x3b: {  	[sflag:s11] =	ssyncadd.s32 $0xFFFF8300  }
0x3c: {  	[hbm4b:s16+s2] =	stream.linear.scatter [tilespmem:s12], [sflag:$0x1], $0x7D00, $0x38;
	[tilespmem:$0x109A0] =	vst v63  }
0x3d: {  	_ = 	snop  }
0x3e: {  	[hbm4b:s15+s2] =	stream.linear.scatter [tilespmem:s13], [sflag:$0x2], $0x7D00, $0x38;
	[tilespmem:$0x109A0] =	vst v63  }
.Ltmp0:
0x3f: {  	_ =	swait.ge [sflag:s10], $0x7D00;
	(pc) =	sbr.rel @p0 .LBB2_2-.Ltmp0, $4  }
0x40: {  	[sflag:s10] =	ssyncset.done $0x0  }
0x41: {  	[sflag:s10] =	ssyncadd.s32 $0xFFFF8300  }
0x42: {  	s18 =	smov.u32 s21;
	_ =	swait.ge [sflag:s11], $0x7D00  }
0x43: {  	s16 =	sadd.s32 $0xFA0, s16;
	s15 =	sadd.s32 $0xFA0, s15;
	[sflag:s11] =	ssyncset.done $0x0  }
0x44: {  	s18 =	sadd.s32 s17, s8;
	[sflag:s11] =	ssyncadd.s32 $0xFFFF8300  }
0x45: {  	[tilespmem:s2], [sflag:$0x1] =	stream.linear.gather [hbm4b:s18+s2], $0x7D0, $0x38;
	[tilespmem:$0x109A0] =	vst v63  }
0x46: {  	s31 =	sadd.s32 s17, s7  }
0x47: {  	[tilespmem:s9], [sflag:$0x2] =	stream.linear.gather [hbm4b:s31+s2], $0x7D0, $0x38;
	[tilespmem:$0x109A0] =	vst v63  }
0x48: {  	_ =	swait.ge [sflag:s10], $0x7D0  }
0x49: {  	[sflag:s10] =	ssyncset.done $0x0  }
0x4a: {  	[sflag:s10] =	ssyncadd.s32 $0xFFFFF830  }
0x4b: {  	_ =	swait.ge [sflag:s11], $0x7D0  }
0x4c: {  	[sflag:s11] =	ssyncset.done $0x0  }
0x4d: {  	[sflag:s11] =	ssyncadd.s32 $0xFFFFF830  }
0x4e: {  	[tilespmem:s12], [sflag:$0x1] =	stream.indirect.gather [hbm4b:s3+s9], $0x10, s2, s9, $0xb8;
	[tilespmem:$0x109A0] =	vst v63  }
0x4f: {  	_ = 	snop  }
0x50: {  	[tilespmem:s13], [sflag:$0x2] =	stream.indirect.gather [hbm4b:s3+s9], $0x10, s9, s9, $0xb8;
	[tilespmem:$0x109A0] =	vst v63  }
0x51: {  	_ =	swait.ge [sflag:s10], $0x7D00  }
0x52: {  	[sflag:s10] =	ssyncset.done $0x0  }
0x53: {  	[sflag:s10] =	ssyncadd.s32 $0xFFFF8300  }
0x54: {  	_ =	swait.ge [sflag:s11], $0x7D00  }
0x55: {  	[sflag:s11] =	ssyncset.done $0x0  }
0x56: {  	[sflag:s11] =	ssyncadd.s32 $0xFFFF8300  }
0x57: {  	[hbm4b:s16+s2] =	stream.linear.scatter [tilespmem:s12], [sflag:$0x1], $0x7D00, $0x38;
	[tilespmem:$0x109A0] =	vst v63  }
0x58: {  	s14 =	sadd.s32 $0x1, s14  }
0x59: {  	[hbm4b:s15+s2] =	stream.linear.scatter [tilespmem:s13], [sflag:$0x2], $0x7D00, $0x38;
	[tilespmem:$0x109A0] =	vst v63  }
0x5a: {  	p0 =	sne.s32 s14, s6;
	_ =	swait.ge [sflag:s10], $0x7D00  }
.Ltmp1:
0x5b: {  	[sflag:s10] =	ssyncset.done $0x0;
	(pc) =	sbr.rel @p0 .LBB2_1-.Ltmp1, $4  }
0x5c: {  	[sflag:s10] =	ssyncadd.s32 $0xFFFF8300  }
0x5d: {  	_ =	swait.ge [sflag:s11], $0x7D00  }
0x5e: {  	[sflag:s11] =	ssyncset.done $0x0  }
0x5f: {  	[sflag:s11] =	ssyncadd.s32 $0xFFFF8300  }
0x60: {  	_ =	sfence.sel $0x180000  }
0x61: {  	[bflag:$0x0] =	sbarrier.arrive $0xFFFF  }
0x62: {  	p0 =	sne.s32 s1, $0x0;
	_ =	strace $0x90000047  }
0x63: {  	s0 =	sadd.s32 @!p0 $0x100000, s0;
	[bflag:$0x2] =	sbarrier.arrive $0xFFFF  }
0x64: {  	[sflag:s0] =	ssyncadd.tile.s32 @!p0 $0x1;
	_ =	shalt  }
.Lfunc_end2:
_tile_overlayer_lowered:
.L_overlay_start_2:
0x65: {  	(tag) =	ssettag $0x2  }
0x66: {  	s0 =	rddreg [dreg:$0x0];
	s2 =	stileid.u32  }
0x67: {  	s1 =	rddreg [dreg:$0x1];
	p0 =	sne.s32 s2, $0x0  }
0x68: {  	s3 =	rddreg [dreg:$0x2];
	[bflag:$0x3] =	sbarrier.arrive $0xFFFF;
	s2 =	simm.s32 @!p0 $0x1C03  }
0x69: {  	[timem:s3], [sflag:s2] =	dma.local @!p0 [hbm:s0], s1  }
0x6a: {  	s0 =	simm.s32 @!p0 $0x3  }
0x6b: {  	_ =	swait.ge @!p0 [sflag:s0], s1  }
0x6c: {  	s1 =	ssub.s32 @!p0 $0x0, s1;
	[sflag:s0] =	ssyncset.done @!p0 $0x0  }
0x6d: {  	[sflag:s0] =	ssyncadd.s32 @!p0 s1  }
0x6e: {  	[bflag:$0x3] =	sbarrier.arrive $0xFFFF  }
0x6f: {  	_ =	shalt  }

</sc_bundles>
